<compile_context>
chip_gen: v7x
topology: tpu7x:2x2x1
jax: 0.10.2.dev20260603
libtpu: 0.0.44.dev20260713+nightly
codegen_flags: <defaults>
</compile_context>

<pallas_src>
import functools

import jax
import jax.numpy as jnp
from jax import lax
from jax.experimental import pallas as pl
from jax.experimental.pallas import tpu as pltpu
from jax.experimental.pallas import tpu_sc as plsc

_NC = 2
_NS = 16
_L = 16
_CH = 128


@functools.lru_cache(maxsize=None)
def _make_sc_seg_sum(n, n_pad, dh, n_chunks, with_deg):
    rows_per_tile = n_pad // _NS
    full = rows_per_tile // _CH
    rem = rows_per_tile % _CH

    mesh = plsc.VectorSubcoreMesh(core_axis_name="c", subcore_axis_name="s")
    out_type = [jax.ShapeDtypeStruct((_NC * n_pad, dh), jnp.float32)]
    if with_deg:
        out_type.append(jax.ShapeDtypeStruct((n_pad, _L), jnp.float32))
    scratch = [
        pltpu.VMEM((n_chunks, _CH), jnp.int32),
        pltpu.VMEM((n_chunks, _CH), jnp.int32),
        pltpu.VMEM((_CH, dh), jnp.float32),
        pltpu.VMEM((_CH, _L), jnp.float32),
        pltpu.VMEM((_CH, _L), jnp.float32),
        pltpu.VMEM_SHARED((n_pad, dh), jnp.float32),
        pltpu.VMEM_SHARED((n_pad, _L), jnp.float32),
        pltpu.SemaphoreType.DMA,
    ]

    def body(xs_hbm, src_hbm, dst_hbm, *rest):
        if with_deg:
            out_s, out_d = rest[0], rest[1]
            rest = rest[2:]
        else:
            out_s, out_d = rest[0], None
            rest = rest[1:]
        src_v, dst_v, rows_v, z16_v, e0_v, sum_sp, deg_sp, gsem = rest

        c = lax.axis_index("c")
        s = lax.axis_index("s")
        wid = c * _NS + s

        pltpu.sync_copy(src_hbm.at[wid], src_v)
        pltpu.sync_copy(dst_hbm.at[s], dst_v)

        e0 = jnp.where(lax.iota(jnp.int32, _L) == 0,
                       jnp.float32(1.0), jnp.float32(0.0))
        z = jnp.zeros((_L,), jnp.float32)

        def fill_row(i, carry):
            for k in range(dh // _L):
                rows_v[i, pl.ds(k * _L, _L)] = z
            z16_v[i, pl.ds(0, _L)] = z
            e0_v[i, pl.ds(0, _L)] = e0
            return carry

        lax.fori_loop(0, _CH, fill_row, 0)

        r0 = s * rows_per_tile
        for b in range(full):
            pltpu.sync_copy(rows_v, sum_sp.at[pl.ds(r0 + b * _CH, _CH)])
            if with_deg:
                pltpu.sync_copy(z16_v, deg_sp.at[pl.ds(r0 + b * _CH, _CH)])
        if rem:
            pltpu.sync_copy(rows_v.at[pl.ds(0, rem)],
                            sum_sp.at[pl.ds(r0 + full * _CH, rem)])
            if with_deg:
                pltpu.sync_copy(z16_v.at[pl.ds(0, rem)],
                                deg_sp.at[pl.ds(r0 + full * _CH, rem)])
        plsc.subcore_barrier()

        def chunk(j, carry):
            pltpu.async_copy(xs_hbm.at[src_v.at[j]], rows_v, gsem).wait()
            pltpu.sync_copy(rows_v, sum_sp.at[dst_v.at[j]], add=True)
            if with_deg:
                @pl.when(c == 0)
                def _():
                    pltpu.sync_copy(e0_v, deg_sp.at[dst_v.at[j]], add=True)
            return carry

        lax.fori_loop(0, n_chunks, chunk, 0)
        plsc.subcore_barrier()

        pltpu.sync_copy(sum_sp.at[pl.ds(r0, rows_per_tile)],
                        out_s.at[pl.ds(c * n_pad + r0, rows_per_tile)])
        if with_deg:
            @pl.when(c == 0)
            def _():
                pltpu.sync_copy(deg_sp.at[pl.ds(r0, rows_per_tile)],
                                out_d.at[pl.ds(r0, rows_per_tile)])

    return pl.kernel(body, out_type=out_type, mesh=mesh,
                     scratch_types=scratch,
                     compiler_params=pltpu.CompilerParams(
                         use_tc_tiling_on_sc=False))


@functools.lru_cache(maxsize=None)
def _make_tc_dense(n, d, split_in, split_out, apply_relu):
    dh = d // 2

    def body(s0, s1, dg, xin, wl, bl, wr, g, be, out):
        summed = jnp.concatenate([s0[...], s1[...]], axis=1)
        deg = dg[...][:, 0:1]
        agg = summed / jnp.maximum(deg, 1.0)
        xf = xin[...]
        if split_in:
            xf = jnp.concatenate([xf[0:n], xf[n:2 * n]], axis=1)
        h = (lax.dot_general(agg, wl[...], (((1,), (1,)), ((), ())),
                             preferred_element_type=jnp.float32)
             + bl[...]
             + lax.dot_general(xf, wr[...], (((1,), (1,)), ((), ())),
                               preferred_element_type=jnp.float32))
        mu = jnp.mean(h, axis=0, keepdims=True)
        var = jnp.mean((h - mu) * (h - mu), axis=0, keepdims=True)
        y = (h - mu) * lax.rsqrt(var + 1e-5) * g[...] + be[...]
        if apply_relu:
            y = jnp.maximum(y, 0.0)
        if split_out:
            out[0:n, :] = y[:, 0:dh]
            out[n:2 * n, :] = y[:, dh:d]
        else:
            out[...] = y

    out_shape = jax.ShapeDtypeStruct((2 * n, dh) if split_out else (n, d),
                                     jnp.float32)
    return pl.pallas_call(body, out_shape=out_shape)


def kernel(x, edge_index, W1l, b1l, W1r, g1, be1, W2l, b2l, W2r, g2, be2):
    n, d = x.shape
    dh = d // 2
    e = edge_index.shape[1]
    n_pad = ((n + 1 + 127) // 128) * 128
    n_chunks = -(-e // (_NS * _CH))
    e_pad = n_chunks * _NS * _CH

    src = edge_index[0].astype(jnp.int32)
    dst = edge_index[1].astype(jnp.int32)
    pad = e_pad - e
    if pad:
        src = jnp.concatenate([src, jnp.zeros((pad,), jnp.int32)])
        dst = jnp.concatenate([dst, jnp.full((pad,), n, jnp.int32)])
    src2 = jnp.stack([src, src + n]).reshape(_NC * _NS, n_chunks, _CH)
    dst = dst.reshape(_NS, n_chunks, _CH)
    xs = jnp.concatenate([x[:, :dh], x[:, dh:]], axis=0)

    sc_l1 = _make_sc_seg_sum(n, n_pad, dh, n_chunks, True)
    sc_l2 = _make_sc_seg_sum(n, n_pad, dh, n_chunks, False)
    tc_l1 = _make_tc_dense(n, d, False, True, True)
    tc_l2 = _make_tc_dense(n, d, True, False, False)

    s_all, deg = sc_l1(xs, src2, dst)
    h1s = tc_l1(s_all[:n], s_all[n_pad:n_pad + n], deg[:n], x,
                W1l, b1l.reshape(1, d), W1r, g1.reshape(1, d),
                be1.reshape(1, d))

    out2 = sc_l2(h1s, src2, dst)
    s_all2 = out2[0] if isinstance(out2, (tuple, list)) else out2
    h2 = tc_l2(s_all2[:n], s_all2[n_pad:n_pad + n], deg[:n], h1s,
               W2l, b2l.reshape(1, d), W2r, g2.reshape(1, d),
               be2.reshape(1, d))
    return h2

# --- scband reference (transcript-rebuilt; emitter-appended) ---
"""Pipeline reference for scband-graph-sageencoder-64192581206427 (READ-ONLY COPY).

The authoritative reference and input builder live on the scoring server;
editing this copy changes nothing except your own understanding.
"""

import jax, jax.numpy as jnp
import numpy as np

N = 10000
D = 128
E = 320000

def sage_conv(x, edge_index, Wl, bl, Wr):
    src = edge_index[0]
    dst = edge_index[1]
    msg = jnp.take(x, src, axis=0)
    summed = jax.ops.segment_sum(msg, dst, num_segments=N)
    deg = jax.ops.segment_sum(jnp.ones_like(dst, dtype=x.dtype), dst, num_segments=N)
    agg = summed / jnp.clip(deg, 1.0)[:, None]
    return agg @ Wl.T + bl + x @ Wr.T

def batch_norm(x, gamma, beta, eps=1e-5):
    mean = jnp.mean(x, axis=0)
    var = jnp.var(x, axis=0)
    return (x - mean) / jnp.sqrt(var + eps) * gamma + beta

def setup_inputs(seed: int = 0) -> dict:
    key = jax.random.key(seed)
    ks = jax.random.split(key, 12)
    x = jax.random.normal(ks[0], (N, D), dtype=jnp.float32)
    edge_index = jax.random.randint(ks[1], (2, E), 0, N, dtype=jnp.int64)
    s = 1.0 / np.sqrt(D)
    W1l = jax.random.uniform(ks[2], (D, D), jnp.float32, -s, s)
    b1l = jax.random.uniform(ks[3], (D,), jnp.float32, -s, s)
    W1r = jax.random.uniform(ks[4], (D, D), jnp.float32, -s, s)
    g1 = jnp.ones((D,), jnp.float32)
    be1 = jnp.zeros((D,), jnp.float32)
    W2l = jax.random.uniform(ks[5], (D, D), jnp.float32, -s, s)
    b2l = jax.random.uniform(ks[6], (D,), jnp.float32, -s, s)
    W2r = jax.random.uniform(ks[7], (D, D), jnp.float32, -s, s)
    g2 = jnp.ones((D,), jnp.float32)
    be2 = jnp.zeros((D,), jnp.float32)
    return {"x": x, "edge_index": edge_index, "W1l": W1l, "b1l": b1l, "W1r": W1r, "g1": g1, "be1": be1, "W2l": W2l, "b2l": b2l, "W2r": W2r, "g2": g2, "be2": be2}

def reference(x, edge_index, W1l, b1l, W1r, g1, be1, W2l, b2l, W2r, g2, be2):
    # Layer 1: SAGEConv -> BatchNorm -> ReLU -> (dropout treated as identity / eval mode)
    h = sage_conv(x, edge_index, W1l, b1l, W1r)
    h = batch_norm(h, g1, be1)
    h = jax.nn.relu(h)
    # Layer 2: SAGEConv -> BatchNorm
    h = sage_conv(h, edge_index, W2l, b2l, W2r)
    h = batch_norm(h, g2, be2)
    return h

if __name__ == "__main__":
    import jax
    _d = setup_inputs()
    print(jax.jit(kernel)(*tuple(_d.values())))

</pallas_src>

<mosaic_0001>
#map = affine_map<(d0, d1) -> (0, 0)>
#map1 = affine_map<(d0, d1) -> (0, 0, 0)>
module attributes {stable_mosaic.version = 14 : i64} {
  func.func @body(%arg0: i32, %arg1: i32, %arg2: memref<20000x64xf32, #tpu.memory_space<hbm>>, %arg3: memref<32x157x128xi32, #tpu.memory_space<hbm>>, %arg4: memref<16x157x128xi32, #tpu.memory_space<hbm>>, %arg5: memref<20224x64xf32, #tpu.memory_space<hbm>>, %arg6: memref<157x128xi32, #tpu.memory_space<vmem>>, %arg7: memref<157x128xi32, #tpu.memory_space<vmem>>, %arg8: memref<128x64xf32, #tpu.memory_space<vmem>>, %arg9: memref<128x16xf32, #tpu.memory_space<vmem>>, %arg10: memref<128x16xf32, #tpu.memory_space<vmem>>, %arg11: memref<10112x64xf32, #tpu.memory_space<vmem_shared>>, %arg12: memref<10112x16xf32, #tpu.memory_space<vmem_shared>>, %arg13: memref<!tpu.dma_semaphore, #tpu.memory_space<semaphore_mem>>) attributes {dimension_semantics = [#tpu.dimension_semantics<core_parallel>, #tpu.dimension_semantics<subcore_parallel>], iteration_bounds = array<i64: 2, 16>, scalar_prefetch = 0 : i64, scratch_operands = 8 : i64, tpu.core_type = #tpu.core_type<sc_vector_subcore>, window_params = [{transform_indices = #map}, {transform_indices = #map1}, {transform_indices = #map1}, {transform_indices = #map}]} {
    %mul3A = arith.constant 16 : i32
    %mul3A_0 = arith.muli %arg0, %mul3A : i32
    %add3A = arith.addi %mul3A_0, %arg1 : i32
    "tpu.region"() ({
      %run_scoped3A = tpu.sem_alloc : memref<!tpu.dma_semaphore, #tpu.memory_space<semaphore_mem>>
      %dma_start3A = arith.constant 0 : i32
      %dma_start3A_34 = arith.constant 0 : i32
      %dma_start3A_35 = tpu.memref_slice %arg3[%add3A, %dma_start3A, %dma_start3A_34] : memref<32x157x128xi32, #tpu.memory_space<hbm>> -> memref<1x157x128xi32, #tpu.memory_space<hbm>>
      %dma_start3A_36 = tpu.memref_squeeze %dma_start3A_35 : memref<1x157x128xi32, #tpu.memory_space<hbm>> -> memref<157x128xi32, #tpu.memory_space<hbm>>
      %dma_start3A_37 = arith.constant 0 : i32
      %dma_start3A_38 = arith.constant 0 : i32
      %dma_start3A_39 = tpu.memref_slice %arg3[%add3A, %dma_start3A_37, %dma_start3A_38] : memref<32x157x128xi32, #tpu.memory_space<hbm>> -> memref<1x157x128xi32, #tpu.memory_space<hbm>>
      %dma_start3A_40 = tpu.memref_squeeze %dma_start3A_39 : memref<1x157x128xi32, #tpu.memory_space<hbm>> -> memref<157x128xi32, #tpu.memory_space<hbm>>
      tpu.enqueue_dma source(%dma_start3A_40 : memref<157x128xi32, #tpu.memory_space<hbm>>) target(%arg6 : memref<157x128xi32, #tpu.memory_space<vmem>>) target_semaphore(%run_scoped3A : memref<!tpu.dma_semaphore, #tpu.memory_space<semaphore_mem>>)
      %dma_wait3A = arith.constant 0 : i32
      %dma_wait3A_41 = arith.constant 0 : i32
      %dma_wait3A_42 = tpu.memref_slice %arg3[%add3A, %dma_wait3A, %dma_wait3A_41] : memref<32x157x128xi32, #tpu.memory_space<hbm>> -> memref<1x157x128xi32, #tpu.memory_space<hbm>>
      %dma_wait3A_43 = tpu.memref_squeeze %dma_wait3A_42 : memref<1x157x128xi32, #tpu.memory_space<hbm>> -> memref<157x128xi32, #tpu.memory_space<hbm>>
      %dma_wait3A_44 = arith.constant 0 : i32
      %dma_wait3A_45 = arith.constant 0 : i32
      %dma_wait3A_46 = tpu.memref_slice %arg3[%add3A, %dma_wait3A_44, %dma_wait3A_45] : memref<32x157x128xi32, #tpu.memory_space<hbm>> -> memref<1x157x128xi32, #tpu.memory_space<hbm>>
      %dma_wait3A_47 = tpu.memref_squeeze %dma_wait3A_46 : memref<1x157x128xi32, #tpu.memory_space<hbm>> -> memref<157x128xi32, #tpu.memory_space<hbm>>
      tpu.wait_dma2 semaphore(%run_scoped3A : memref<!tpu.dma_semaphore, #tpu.memory_space<semaphore_mem>>) src(%dma_wait3A_47 : memref<157x128xi32, #tpu.memory_space<hbm>>) dst(%arg6 : memref<157x128xi32, #tpu.memory_space<vmem>>)
      tpu.yield
    }) : () -> ()
    "tpu.region"() ({
      %run_scoped3A = tpu.sem_alloc : memref<!tpu.dma_semaphore, #tpu.memory_space<semaphore_mem>>
      %dma_start3A = arith.constant 0 : i32
      %dma_start3A_34 = arith.constant 0 : i32
      %dma_start3A_35 = tpu.memref_slice %arg4[%arg1, %dma_start3A, %dma_start3A_34] : memref<16x157x128xi32, #tpu.memory_space<hbm>> -> memref<1x157x128xi32, #tpu.memory_space<hbm>>
      %dma_start3A_36 = tpu.memref_squeeze %dma_start3A_35 : memref<1x157x128xi32, #tpu.memory_space<hbm>> -> memref<157x128xi32, #tpu.memory_space<hbm>>
      %dma_start3A_37 = arith.constant 0 : i32
      %dma_start3A_38 = arith.constant 0 : i32
      %dma_start3A_39 = tpu.memref_slice %arg4[%arg1, %dma_start3A_37, %dma_start3A_38] : memref<16x157x128xi32, #tpu.memory_space<hbm>> -> memref<1x157x128xi32, #tpu.memory_space<hbm>>
      %dma_start3A_40 = tpu.memref_squeeze %dma_start3A_39 : memref<1x157x128xi32, #tpu.memory_space<hbm>> -> memref<157x128xi32, #tpu.memory_space<hbm>>
      tpu.enqueue_dma source(%dma_start3A_40 : memref<157x128xi32, #tpu.memory_space<hbm>>) target(%arg7 : memref<157x128xi32, #tpu.memory_space<vmem>>) target_semaphore(%run_scoped3A : memref<!tpu.dma_semaphore, #tpu.memory_space<semaphore_mem>>)
      %dma_wait3A = arith.constant 0 : i32
      %dma_wait3A_41 = arith.constant 0 : i32
      %dma_wait3A_42 = tpu.memref_slice %arg4[%arg1, %dma_wait3A, %dma_wait3A_41] : memref<16x157x128xi32, #tpu.memory_space<hbm>> -> memref<1x157x128xi32, #tpu.memory_space<hbm>>
      %dma_wait3A_43 = tpu.memref_squeeze %dma_wait3A_42 : memref<1x157x128xi32, #tpu.memory_space<hbm>> -> memref<157x128xi32, #tpu.memory_space<hbm>>
      %dma_wait3A_44 = arith.constant 0 : i32
      %dma_wait3A_45 = arith.constant 0 : i32
      %dma_wait3A_46 = tpu.memref_slice %arg4[%arg1, %dma_wait3A_44, %dma_wait3A_45] : memref<16x157x128xi32, #tpu.memory_space<hbm>> -> memref<1x157x128xi32, #tpu.memory_space<hbm>>
      %dma_wait3A_47 = tpu.memref_squeeze %dma_wait3A_46 : memref<1x157x128xi32, #tpu.memory_space<hbm>> -> memref<157x128xi32, #tpu.memory_space<hbm>>
      tpu.wait_dma2 semaphore(%run_scoped3A : memref<!tpu.dma_semaphore, #tpu.memory_space<semaphore_mem>>) src(%dma_wait3A_47 : memref<157x128xi32, #tpu.memory_space<hbm>>) dst(%arg7 : memref<157x128xi32, #tpu.memory_space<vmem>>)
      tpu.yield
    }) : () -> ()
    %iota3A = tpu.iota {dimensions = array<i32: 0>} : vector<16xi32>
    %eq3A = arith.constant 0 : i32
    %eq3A_1 = vector.broadcast %eq3A : i32 to vector<16xi32>
    %eq3A_2 = arith.cmpi eq, %iota3A, %eq3A_1 : vector<16xi32>
    %jit3A = arith.constant 1.000000e+00 : f32
    %jit3A_3 = arith.constant 0.000000e+00 : f32
    %broadcast_in_dim3A = vector.broadcast %jit3A : f32 to vector<16xf32>
    %broadcast_in_dim3A_4 = vector.broadcast %jit3A_3 : f32 to vector<16xf32>
    %select_n3A = arith.select %eq3A_2, %broadcast_in_dim3A, %broadcast_in_dim3A_4 : vector<16xi1>, vector<16xf32>
    %broadcast_in_dim3A_5 = arith.constant 0.000000e+00 : f32
    %broadcast_in_dim3A_6 = vector.broadcast %broadcast_in_dim3A_5 : f32 to vector<16xf32>
    %scan3A = arith.constant 0 : i32
    %scan3A_7 = arith.constant 0 : i32
    %scan3A_8 = arith.constant 128 : i32
    %scan3A_9 = arith.addi %scan3A_7, %scan3A_8 : i32
    %scan3A_10 = arith.constant 1 : i32
    scf.for %scan3A_34 = %scan3A_7 to %scan3A_9 step %scan3A_10  : i32 {
      %swap3A = arith.index_cast %scan3A_34 : i32 to index
      %swap3A_35 = arith.constant 0 : index
      %swap3A_36 = tpu.vector_load %arg8[%swap3A, %swap3A_35] {strides = array<i32>} : memref<128x64xf32, #tpu.memory_space<vmem>>, vector<1x16xf32>,
      %swap3A_37 = vector.shape_cast %swap3A_36 : vector<1x16xf32> to vector<16xf32>
      %swap3A_38 = vector.shape_cast %broadcast_in_dim3A_6 : vector<16xf32> to vector<1x16xf32>
      tpu.vector_store %arg8[%swap3A, %swap3A_35], %swap3A_38 {strides = array<i32>} : memref<128x64xf32, #tpu.memory_space<vmem>>, vector<1x16xf32>,
      %swap3A_39 = arith.index_cast %scan3A_34 : i32 to index
      %swap3A_40 = arith.constant 16 : index
      %swap3A_41 = tpu.vector_load %arg8[%swap3A_39, %swap3A_40] {strides = array<i32>} : memref<128x64xf32, #tpu.memory_space<vmem>>, vector<1x16xf32>,
      %swap3A_42 = vector.shape_cast %swap3A_41 : vector<1x16xf32> to vector<16xf32>
      %swap3A_43 = vector.shape_cast %broadcast_in_dim3A_6 : vector<16xf32> to vector<1x16xf32>
      tpu.vector_store %arg8[%swap3A_39, %swap3A_40], %swap3A_43 {strides = array<i32>} : memref<128x64xf32, #tpu.memory_space<vmem>>, vector<1x16xf32>,
      %swap3A_44 = arith.index_cast %scan3A_34 : i32 to index
      %swap3A_45 = arith.constant 32 : index
      %swap3A_46 = tpu.vector_load %arg8[%swap3A_44, %swap3A_45] {strides = array<i32>} : memref<128x64xf32, #tpu.memory_space<vmem>>, vector<1x16xf32>,
      %swap3A_47 = vector.shape_cast %swap3A_46 : vector<1x16xf32> to vector<16xf32>
      %swap3A_48 = vector.shape_cast %broadcast_in_dim3A_6 : vector<16xf32> to vector<1x16xf32>
      tpu.vector_store %arg8[%swap3A_44, %swap3A_45], %swap3A_48 {strides = array<i32>} : memref<128x64xf32, #tpu.memory_space<vmem>>, vector<1x16xf32>,
      %swap3A_49 = arith.index_cast %scan3A_34 : i32 to index
      %swap3A_50 = arith.constant 48 : index
      %swap3A_51 = tpu.vector_load %arg8[%swap3A_49, %swap3A_50] {strides = array<i32>} : memref<128x64xf32, #tpu.memory_space<vmem>>, vector<1x16xf32>,
      %swap3A_52 = vector.shape_cast %swap3A_51 : vector<1x16xf32> to vector<16xf32>
      %swap3A_53 = vector.shape_cast %broadcast_in_dim3A_6 : vector<16xf32> to vector<1x16xf32>
      tpu.vector_store %arg8[%swap3A_49, %swap3A_50], %swap3A_53 {strides = array<i32>} : memref<128x64xf32, #tpu.memory_space<vmem>>, vector<1x16xf32>,
      %swap3A_54 = arith.index_cast %scan3A_34 : i32 to index
      %swap3A_55 = arith.constant 0 : index
      %swap3A_56 = tpu.vector_load %arg9[%swap3A_54, %swap3A_55] {strides = array<i32>} : memref<128x16xf32, #tpu.memory_space<vmem>>, vector<1x16xf32>,
      %swap3A_57 = vector.shape_cast %swap3A_56 : vector<1x16xf32> to vector<16xf32>
      %swap3A_58 = vector.shape_cast %broadcast_in_dim3A_6 : vector<16xf32> to vector<1x16xf32>
      tpu.vector_store %arg9[%swap3A_54, %swap3A_55], %swap3A_58 {strides = array<i32>} : memref<128x16xf32, #tpu.memory_space<vmem>>, vector<1x16xf32>,
      %swap3A_59 = arith.index_cast %scan3A_34 : i32 to index
      %swap3A_60 = arith.constant 0 : index
      %swap3A_61 = tpu.vector_load %arg10[%swap3A_59, %swap3A_60] {strides = array<i32>} : memref<128x16xf32, #tpu.memory_space<vmem>>, vector<1x16xf32>,
      %swap3A_62 = vector.shape_cast %swap3A_61 : vector<1x16xf32> to vector<16xf32>
      %swap3A_63 = vector.shape_cast %select_n3A : vector<16xf32> to vector<1x16xf32>
      tpu.vector_store %arg10[%swap3A_59, %swap3A_60], %swap3A_63 {strides = array<i32>} : memref<128x16xf32, #tpu.memory_space<vmem>>, vector<1x16xf32>,
    }
    %scan3A_11 = arith.constant 128 : i32
    %mul3A_12 = arith.constant 632 : i32
    %mul3A_13 = arith.muli %arg1, %mul3A_12 : i32
    %add3A_14 = arith.constant 0 : i32
    %add3A_15 = arith.addi %mul3A_13, %add3A_14 : i32
    "tpu.region"() ({
      %run_scoped3A = tpu.sem_alloc : memref<!tpu.dma_semaphore, #tpu.memory_space<semaphore_mem>>
      %dma_start3A = arith.constant 0 : i32
      %dma_start3A_34 = tpu.memref_slice %arg11[%add3A_15, %dma_start3A] : memref<10112x64xf32, #tpu.memory_space<vmem_shared>> -> memref<128x64xf32, #tpu.memory_space<vmem_shared>>
      %dma_start3A_35 = arith.constant 0 : i32
      %dma_start3A_36 = tpu.memref_slice %arg11[%add3A_15, %dma_start3A_35] : memref<10112x64xf32, #tpu.memory_space<vmem_shared>> -> memref<128x64xf32, #tpu.memory_space<vmem_shared>>
      tpu.enqueue_dma source(%arg8 : memref<128x64xf32, #tpu.memory_space<vmem>>) target(%dma_start3A_36 : memref<128x64xf32, #tpu.memory_space<vmem_shared>>) target_semaphore(%run_scoped3A : memref<!tpu.dma_semaphore, #tpu.memory_space<semaphore_mem>>)
      %dma_wait3A = arith.constant 0 : i32
      %dma_wait3A_37 = tpu.memref_slice %arg11[%add3A_15, %dma_wait3A] : memref<10112x64xf32, #tpu.memory_space<vmem_shared>> -> memref<128x64xf32, #tpu.memory_space<vmem_shared>>
      %dma_wait3A_38 = arith.constant 0 : i32
      %dma_wait3A_39 = tpu.memref_slice %arg11[%add3A_15, %dma_wait3A_38] : memref<10112x64xf32, #tpu.memory_space<vmem_shared>> -> memref<128x64xf32, #tpu.memory_space<vmem_shared>>
      tpu.wait_dma2 semaphore(%run_scoped3A : memref<!tpu.dma_semaphore, #tpu.memory_space<semaphore_mem>>) src(%arg8 : memref<128x64xf32, #tpu.memory_space<vmem>>) dst(%dma_wait3A_39 : memref<128x64xf32, #tpu.memory_space<vmem_shared>>)
      tpu.yield
    }) : () -> ()
    %add3A_16 = arith.constant 128 : i32
    %add3A_17 = arith.addi %mul3A_13, %add3A_16 : i32
    "tpu.region"() ({
      %run_scoped3A = tpu.sem_alloc : memref<!tpu.dma_semaphore, #tpu.memory_space<semaphore_mem>>
      %dma_start3A = arith.constant 0 : i32
      %dma_start3A_34 = tpu.memref_slice %arg11[%add3A_17, %dma_start3A] : memref<10112x64xf32, #tpu.memory_space<vmem_shared>> -> memref<128x64xf32, #tpu.memory_space<vmem_shared>>
      %dma_start3A_35 = arith.constant 0 : i32
      %dma_start3A_36 = tpu.memref_slice %arg11[%add3A_17, %dma_start3A_35] : memref<10112x64xf32, #tpu.memory_space<vmem_shared>> -> memref<128x64xf32, #tpu.memory_space<vmem_shared>>
      tpu.enqueue_dma source(%arg8 : memref<128x64xf32, #tpu.memory_space<vmem>>) target(%dma_start3A_36 : memref<128x64xf32, #tpu.memory_space<vmem_shared>>) target_semaphore(%run_scoped3A : memref<!tpu.dma_semaphore, #tpu.memory_space<semaphore_mem>>)
      %dma_wait3A = arith.constant 0 : i32
      %dma_wait3A_37 = tpu.memref_slice %arg11[%add3A_17, %dma_wait3A] : memref<10112x64xf32, #tpu.memory_space<vmem_shared>> -> memref<128x64xf32, #tpu.memory_space<vmem_shared>>
      %dma_wait3A_38 = arith.constant 0 : i32
      %dma_wait3A_39 = tpu.memref_slice %arg11[%add3A_17, %dma_wait3A_38] : memref<10112x64xf32, #tpu.memory_space<vmem_shared>> -> memref<128x64xf32, #tpu.memory_space<vmem_shared>>
      tpu.wait_dma2 semaphore(%run_scoped3A : memref<!tpu.dma_semaphore, #tpu.memory_space<semaphore_mem>>) src(%arg8 : memref<128x64xf32, #tpu.memory_space<vmem>>) dst(%dma_wait3A_39 : memref<128x64xf32, #tpu.memory_space<vmem_shared>>)
      tpu.yield
    }) : () -> ()
    %add3A_18 = arith.constant 256 : i32
    %add3A_19 = arith.addi %mul3A_13, %add3A_18 : i32
    "tpu.region"() ({
      %run_scoped3A = tpu.sem_alloc : memref<!tpu.dma_semaphore, #tpu.memory_space<semaphore_mem>>
      %dma_start3A = arith.constant 0 : i32
      %dma_start3A_34 = tpu.memref_slice %arg11[%add3A_19, %dma_start3A] : memref<10112x64xf32, #tpu.memory_space<vmem_shared>> -> memref<128x64xf32, #tpu.memory_space<vmem_shared>>
      %dma_start3A_35 = arith.constant 0 : i32
      %dma_start3A_36 = tpu.memref_slice %arg11[%add3A_19, %dma_start3A_35] : memref<10112x64xf32, #tpu.memory_space<vmem_shared>> -> memref<128x64xf32, #tpu.memory_space<vmem_shared>>
      tpu.enqueue_dma source(%arg8 : memref<128x64xf32, #tpu.memory_space<vmem>>) target(%dma_start3A_36 : memref<128x64xf32, #tpu.memory_space<vmem_shared>>) target_semaphore(%run_scoped3A : memref<!tpu.dma_semaphore, #tpu.memory_space<semaphore_mem>>)
      %dma_wait3A = arith.constant 0 : i32
      %dma_wait3A_37 = tpu.memref_slice %arg11[%add3A_19, %dma_wait3A] : memref<10112x64xf32, #tpu.memory_space<vmem_shared>> -> memref<128x64xf32, #tpu.memory_space<vmem_shared>>
      %dma_wait3A_38 = arith.constant 0 : i32
      %dma_wait3A_39 = tpu.memref_slice %arg11[%add3A_19, %dma_wait3A_38] : memref<10112x64xf32, #tpu.memory_space<vmem_shared>> -> memref<128x64xf32, #tpu.memory_space<vmem_shared>>
      tpu.wait_dma2 semaphore(%run_scoped3A : memref<!tpu.dma_semaphore, #tpu.memory_space<semaphore_mem>>) src(%arg8 : memref<128x64xf32, #tpu.memory_space<vmem>>) dst(%dma_wait3A_39 : memref<128x64xf32, #tpu.memory_space<vmem_shared>>)
      tpu.yield
    }) : () -> ()
    %add3A_20 = arith.constant 384 : i32
    %add3A_21 = arith.addi %mul3A_13, %add3A_20 : i32
    "tpu.region"() ({
      %run_scoped3A = tpu.sem_alloc : memref<!tpu.dma_semaphore, #tpu.memory_space<semaphore_mem>>
      %dma_start3A = arith.constant 0 : i32
      %dma_start3A_34 = tpu.memref_slice %arg11[%add3A_21, %dma_start3A] : memref<10112x64xf32, #tpu.memory_space<vmem_shared>> -> memref<128x64xf32, #tpu.memory_space<vmem_shared>>
      %dma_start3A_35 = arith.constant 0 : i32
      %dma_start3A_36 = tpu.memref_slice %arg11[%add3A_21, %dma_start3A_35] : memref<10112x64xf32, #tpu.memory_space<vmem_shared>> -> memref<128x64xf32, #tpu.memory_space<vmem_shared>>
      tpu.enqueue_dma source(%arg8 : memref<128x64xf32, #tpu.memory_space<vmem>>) target(%dma_start3A_36 : memref<128x64xf32, #tpu.memory_space<vmem_shared>>) target_semaphore(%run_scoped3A : memref<!tpu.dma_semaphore, #tpu.memory_space<semaphore_mem>>)
      %dma_wait3A = arith.constant 0 : i32
      %dma_wait3A_37 = tpu.memref_slice %arg11[%add3A_21, %dma_wait3A] : memref<10112x64xf32, #tpu.memory_space<vmem_shared>> -> memref<128x64xf32, #tpu.memory_space<vmem_shared>>
      %dma_wait3A_38 = arith.constant 0 : i32
      %dma_wait3A_39 = tpu.memref_slice %arg11[%add3A_21, %dma_wait3A_38] : memref<10112x64xf32, #tpu.memory_space<vmem_shared>> -> memref<128x64xf32, #tpu.memory_space<vmem_shared>>
      tpu.wait_dma2 semaphore(%run_scoped3A : memref<!tpu.dma_semaphore, #tpu.memory_space<semaphore_mem>>) src(%arg8 : memref<128x64xf32, #tpu.memory_space<vmem>>) dst(%dma_wait3A_39 : memref<128x64xf32, #tpu.memory_space<vmem_shared>>)
      tpu.yield
    }) : () -> ()
    %add3A_22 = arith.constant 512 : i32
    %add3A_23 = arith.addi %mul3A_13, %add3A_22 : i32
    "tpu.region"() ({
      %run_scoped3A = tpu.sem_alloc : memref<!tpu.dma_semaphore, #tpu.memory_space<semaphore_mem>>
      %dma_start3A = arith.constant 0 : i32
      %dma_start3A_34 = arith.constant 0 : i32
      %dma_start3A_35 = tpu.memref_slice %arg8[%dma_start3A, %dma_start3A_34] : memref<128x64xf32, #tpu.memory_space<vmem>> -> memref<120x64xf32, #tpu.memory_space<vmem>>
      %dma_start3A_36 = arith.constant 0 : i32
      %dma_start3A_37 = tpu.memref_slice %arg11[%add3A_23, %dma_start3A_36] : memref<10112x64xf32, #tpu.memory_space<vmem_shared>> -> memref<120x64xf32, #tpu.memory_space<vmem_shared>>
      %dma_start3A_38 = arith.constant 0 : i32
      %dma_start3A_39 = tpu.memref_slice %arg11[%add3A_23, %dma_start3A_38] : memref<10112x64xf32, #tpu.memory_space<vmem_shared>> -> memref<120x64xf32, #tpu.memory_space<vmem_shared>>
      %dma_start3A_40 = arith.constant 0 : i32
      %dma_start3A_41 = arith.constant 0 : i32
      %dma_start3A_42 = tpu.memref_slice %arg8[%dma_start3A_40, %dma_start3A_41] : memref<128x64xf32, #tpu.memory_space<vmem>> -> memref<120x64xf32, #tpu.memory_space<vmem>>
      tpu.enqueue_dma source(%dma_start3A_42 : memref<120x64xf32, #tpu.memory_space<vmem>>) target(%dma_start3A_39 : memref<120x64xf32, #tpu.memory_space<vmem_shared>>) target_semaphore(%run_scoped3A : memref<!tpu.dma_semaphore, #tpu.memory_space<semaphore_mem>>)
      %dma_wait3A = arith.constant 0 : i32
      %dma_wait3A_43 = arith.constant 0 : i32
      %dma_wait3A_44 = tpu.memref_slice %arg8[%dma_wait3A, %dma_wait3A_43] : memref<128x64xf32, #tpu.memory_space<vmem>> -> memref<120x64xf32, #tpu.memory_space<vmem>>
      %dma_wait3A_45 = arith.constant 0 : i32
      %dma_wait3A_46 = tpu.memref_slice %arg11[%add3A_23, %dma_wait3A_45] : memref<10112x64xf32, #tpu.memory_space<vmem_shared>> -> memref<120x64xf32, #tpu.memory_space<vmem_shared>>
      %dma_wait3A_47 = arith.constant 0 : i32
      %dma_wait3A_48 = tpu.memref_slice %arg11[%add3A_23, %dma_wait3A_47] : memref<10112x64xf32, #tpu.memory_space<vmem_shared>> -> memref<120x64xf32, #tpu.memory_space<vmem_shared>>
      %dma_wait3A_49 = arith.constant 0 : i32
      %dma_wait3A_50 = arith.constant 0 : i32
      %dma_wait3A_51 = tpu.memref_slice %arg8[%dma_wait3A_49, %dma_wait3A_50] : memref<128x64xf32, #tpu.memory_space<vmem>> -> memref<120x64xf32, #tpu.memory_space<vmem>>
      tpu.wait_dma2 semaphore(%run_scoped3A : memref<!tpu.dma_semaphore, #tpu.memory_space<semaphore_mem>>) src(%dma_wait3A_51 : memref<120x64xf32, #tpu.memory_space<vmem>>) dst(%dma_wait3A_48 : memref<120x64xf32, #tpu.memory_space<vmem_shared>>)
      tpu.yield
    }) : () -> ()
    %barrier3A = arith.constant 0 : index
    tpu.barrier barrier_id(%barrier3A)
    %scan3A_24 = arith.constant 0 : i32
    %scan3A_25 = arith.constant 0 : i32
    %scan3A_26 = arith.constant 157 : i32
    %scan3A_27 = arith.addi %scan3A_25, %scan3A_26 : i32
    %scan3A_28 = arith.constant 1 : i32
    scf.for %scan3A_34 = %scan3A_25 to %scan3A_27 step %scan3A_28  : i32 {
      %dma_start3A = arith.constant 0 : i32
      %dma_start3A_35 = tpu.memref_slice %arg6[%scan3A_34, %dma_start3A] : memref<157x128xi32, #tpu.memory_space<vmem>> -> memref<1x128xi32, #tpu.memory_space<vmem>>
      %dma_start3A_36 = tpu.memref_squeeze %dma_start3A_35 : memref<1x128xi32, #tpu.memory_space<vmem>> -> memref<128xi32, #tpu.memory_space<vmem>>
      %dma_start3A_37 = arith.constant 0 : i32
      %dma_start3A_38 = arith.constant 0 : i32
      %dma_start3A_39 = tpu.memref_slice %arg2[%dma_start3A_37, %dma_start3A_38] : memref<20000x64xf32, #tpu.memory_space<hbm>> -> memref<20000x64xf32, #tpu.memory_space<hbm>>
      tpu.enqueue_indirect_dma source(%dma_start3A_39 : memref<20000x64xf32, #tpu.memory_space<hbm>>) target(%arg8 : memref<128x64xf32, #tpu.memory_space<vmem>>) offsets(%dma_start3A_36 : memref<128xi32, #tpu.memory_space<vmem>>) semaphore(%arg13 : memref<!tpu.dma_semaphore, #tpu.memory_space<semaphore_mem>>)
      %dma_wait3A = arith.constant 0 : i32
      %dma_wait3A_40 = tpu.memref_slice %arg6[%scan3A_34, %dma_wait3A] : memref<157x128xi32, #tpu.memory_space<vmem>> -> memref<1x128xi32, #tpu.memory_space<vmem>>
      %dma_wait3A_41 = tpu.memref_squeeze %dma_wait3A_40 : memref<1x128xi32, #tpu.memory_space<vmem>> -> memref<128xi32, #tpu.memory_space<vmem>>
      %dma_wait3A_42 = arith.constant 0 : i32
      %dma_wait3A_43 = arith.constant 0 : i32
      %dma_wait3A_44 = tpu.memref_slice %arg2[%dma_wait3A_42, %dma_wait3A_43] : memref<20000x64xf32, #tpu.memory_space<hbm>> -> memref<20000x64xf32, #tpu.memory_space<hbm>>
      tpu.wait_indirect_dma semaphore(%arg13 : memref<!tpu.dma_semaphore, #tpu.memory_space<semaphore_mem>>) src(%dma_wait3A_44 : memref<20000x64xf32, #tpu.memory_space<hbm>>) dst(%arg8 : memref<128x64xf32, #tpu.memory_space<vmem>>)
      "tpu.region"() ({
        %run_scoped3A = tpu.sem_alloc : memref<!tpu.dma_semaphore, #tpu.memory_space<semaphore_mem>>
        %dma_start3A_45 = arith.constant 0 : i32
        %dma_start3A_46 = tpu.memref_slice %arg7[%scan3A_34, %dma_start3A_45] : memref<157x128xi32, #tpu.memory_space<vmem>> -> memref<1x128xi32, #tpu.memory_space<vmem>>
        %dma_start3A_47 = tpu.memref_squeeze %dma_start3A_46 : memref<1x128xi32, #tpu.memory_space<vmem>> -> memref<128xi32, #tpu.memory_space<vmem>>
        %dma_start3A_48 = arith.constant 0 : i32
        %dma_start3A_49 = arith.constant 0 : i32
        %dma_start3A_50 = tpu.memref_slice %arg11[%dma_start3A_48, %dma_start3A_49] : memref<10112x64xf32, #tpu.memory_space<vmem_shared>> -> memref<10112x64xf32, #tpu.memory_space<vmem_shared>>
        tpu.enqueue_indirect_dma source(%arg8 : memref<128x64xf32, #tpu.memory_space<vmem>>) target(%dma_start3A_50 : memref<10112x64xf32, #tpu.memory_space<vmem_shared>>) offsets(%dma_start3A_47 : memref<128xi32, #tpu.memory_space<vmem>>) semaphore(%run_scoped3A : memref<!tpu.dma_semaphore, #tpu.memory_space<semaphore_mem>>) {add = true}
        %dma_wait3A_51 = arith.constant 0 : i32
        %dma_wait3A_52 = tpu.memref_slice %arg7[%scan3A_34, %dma_wait3A_51] : memref<157x128xi32, #tpu.memory_space<vmem>> -> memref<1x128xi32, #tpu.memory_space<vmem>>
        %dma_wait3A_53 = tpu.memref_squeeze %dma_wait3A_52 : memref<1x128xi32, #tpu.memory_space<vmem>> -> memref<128xi32, #tpu.memory_space<vmem>>
        %dma_wait3A_54 = arith.constant 0 : i32
        %dma_wait3A_55 = arith.constant 0 : i32
        %dma_wait3A_56 = tpu.memref_slice %arg11[%dma_wait3A_54, %dma_wait3A_55] : memref<10112x64xf32, #tpu.memory_space<vmem_shared>> -> memref<10112x64xf32, #tpu.memory_space<vmem_shared>>
        tpu.wait_indirect_dma semaphore(%run_scoped3A : memref<!tpu.dma_semaphore, #tpu.memory_space<semaphore_mem>>) src(%arg8 : memref<128x64xf32, #tpu.memory_space<vmem>>) dst(%dma_wait3A_56 : memref<10112x64xf32, #tpu.memory_space<vmem_shared>>)
        tpu.yield
      }) : () -> ()
    }
    %scan3A_29 = arith.constant 157 : i32
    %barrier3A_30 = arith.constant 0 : index
    tpu.barrier barrier_id(%barrier3A_30)
    %mul3A_31 = arith.constant 10112 : i32
    %mul3A_32 = arith.muli %arg0, %mul3A_31 : i32
    %add3A_33 = arith.addi %mul3A_32, %mul3A_13 : i32
    "tpu.region"() ({
      %run_scoped3A = tpu.sem_alloc : memref<!tpu.dma_semaphore, #tpu.memory_space<semaphore_mem>>
      %dma_start3A = arith.constant 0 : i32
      %dma_start3A_34 = tpu.memref_slice %arg5[%add3A_33, %dma_start3A] : memref<20224x64xf32, #tpu.memory_space<hbm>> -> memref<632x64xf32, #tpu.memory_space<hbm>>
      %dma_start3A_35 = arith.constant 0 : i32
      %dma_start3A_36 = tpu.memref_slice %arg11[%mul3A_13, %dma_start3A_35] : memref<10112x64xf32, #tpu.memory_space<vmem_shared>> -> memref<632x64xf32, #tpu.memory_space<vmem_shared>>
      tpu.enqueue_dma source(%dma_start3A_36 : memref<632x64xf32, #tpu.memory_space<vmem_shared>>) target(%dma_start3A_34 : memref<632x64xf32, #tpu.memory_space<hbm>>) target_semaphore(%run_scoped3A : memref<!tpu.dma_semaphore, #tpu.memory_space<semaphore_mem>>)
      %dma_wait3A = arith.constant 0 : i32
      %dma_wait3A_37 = tpu.memref_slice %arg5[%add3A_33, %dma_wait3A] : memref<20224x64xf32, #tpu.memory_space<hbm>> -> memref<632x64xf32, #tpu.memory_space<hbm>>
      %dma_wait3A_38 = arith.constant 0 : i32
      %dma_wait3A_39 = tpu.memref_slice %arg11[%mul3A_13, %dma_wait3A_38] : memref<10112x64xf32, #tpu.memory_space<vmem_shared>> -> memref<632x64xf32, #tpu.memory_space<vmem_shared>>
      tpu.wait_dma2 semaphore(%run_scoped3A : memref<!tpu.dma_semaphore, #tpu.memory_space<semaphore_mem>>) src(%dma_wait3A_39 : memref<632x64xf32, #tpu.memory_space<vmem_shared>>) dst(%dma_wait3A_37 : memref<632x64xf32, #tpu.memory_space<hbm>>)
      tpu.yield
    }) : () -> ()
    return
  }
}

#map = affine_map<(d0, d1) -> (0, 0)>
#map1 = affine_map<(d0, d1) -> (0, 0, 0)>
module attributes {stable_mosaic.version = 14 : i64} {
  func.func @body(%arg0: i32, %arg1: i32, %arg2: memref<20000x64xf32, #tpu.memory_space<hbm>>, %arg3: memref<32x157x128xi32, #tpu.memory_space<hbm>>, %arg4: memref<16x157x128xi32, #tpu.memory_space<hbm>>, %arg5: memref<20224x64xf32, #tpu.memory_space<hbm>>, %arg6: memref<10112x16xf32, #tpu.memory_space<hbm>>, %arg7: memref<157x128xi32, #tpu.memory_space<vmem>>, %arg8: memref<157x128xi32, #tpu.memory_space<vmem>>, %arg9: memref<128x64xf32, #tpu.memory_space<vmem>>, %arg10: memref<128x16xf32, #tpu.memory_space<vmem>>, %arg11: memref<128x16xf32, #tpu.memory_space<vmem>>, %arg12: memref<10112x64xf32, #tpu.memory_space<vmem_shared>>, %arg13: memref<10112x16xf32, #tpu.memory_space<vmem_shared>>, %arg14: memref<!tpu.dma_semaphore, #tpu.memory_space<semaphore_mem>>) attributes {dimension_semantics = [#tpu.dimension_semantics<core_parallel>, #tpu.dimension_semantics<subcore_parallel>], iteration_bounds = array<i64: 2, 16>, scalar_prefetch = 0 : i64, scratch_operands = 8 : i64, tpu.core_type = #tpu.core_type<sc_vector_subcore>, window_params = [{transform_indices = #map}, {transform_indices = #map1}, {transform_indices = #map1}, {transform_indices = #map}, {transform_indices = #map}]} {
    %mul3A = arith.constant 16 : i32
    %mul3A_0 = arith.muli %arg0, %mul3A : i32
    %add3A = arith.addi %mul3A_0, %arg1 : i32
    "tpu.region"() ({
      %run_scoped3A = tpu.sem_alloc : memref<!tpu.dma_semaphore, #tpu.memory_space<semaphore_mem>>
      %dma_start3A = arith.constant 0 : i32
      %dma_start3A_47 = arith.constant 0 : i32
      %dma_start3A_48 = tpu.memref_slice %arg3[%add3A, %dma_start3A, %dma_start3A_47] : memref<32x157x128xi32, #tpu.memory_space<hbm>> -> memref<1x157x128xi32, #tpu.memory_space<hbm>>
      %dma_start3A_49 = tpu.memref_squeeze %dma_start3A_48 : memref<1x157x128xi32, #tpu.memory_space<hbm>> -> memref<157x128xi32, #tpu.memory_space<hbm>>
      %dma_start3A_50 = arith.constant 0 : i32
      %dma_start3A_51 = arith.constant 0 : i32
      %dma_start3A_52 = tpu.memref_slice %arg3[%add3A, %dma_start3A_50, %dma_start3A_51] : memref<32x157x128xi32, #tpu.memory_space<hbm>> -> memref<1x157x128xi32, #tpu.memory_space<hbm>>
      %dma_start3A_53 = tpu.memref_squeeze %dma_start3A_52 : memref<1x157x128xi32, #tpu.memory_space<hbm>> -> memref<157x128xi32, #tpu.memory_space<hbm>>
      tpu.enqueue_dma source(%dma_start3A_53 : memref<157x128xi32, #tpu.memory_space<hbm>>) target(%arg7 : memref<157x128xi32, #tpu.memory_space<vmem>>) target_semaphore(%run_scoped3A : memref<!tpu.dma_semaphore, #tpu.memory_space<semaphore_mem>>)
      %dma_wait3A = arith.constant 0 : i32
      %dma_wait3A_54 = arith.constant 0 : i32
      %dma_wait3A_55 = tpu.memref_slice %arg3[%add3A, %dma_wait3A, %dma_wait3A_54] : memref<32x157x128xi32, #tpu.memory_space<hbm>> -> memref<1x157x128xi32, #tpu.memory_space<hbm>>
      %dma_wait3A_56 = tpu.memref_squeeze %dma_wait3A_55 : memref<1x157x128xi32, #tpu.memory_space<hbm>> -> memref<157x128xi32, #tpu.memory_space<hbm>>
      %dma_wait3A_57 = arith.constant 0 : i32
      %dma_wait3A_58 = arith.constant 0 : i32
      %dma_wait3A_59 = tpu.memref_slice %arg3[%add3A, %dma_wait3A_57, %dma_wait3A_58] : memref<32x157x128xi32, #tpu.memory_space<hbm>> -> memref<1x157x128xi32, #tpu.memory_space<hbm>>
      %dma_wait3A_60 = tpu.memref_squeeze %dma_wait3A_59 : memref<1x157x128xi32, #tpu.memory_space<hbm>> -> memref<157x128xi32, #tpu.memory_space<hbm>>
      tpu.wait_dma2 semaphore(%run_scoped3A : memref<!tpu.dma_semaphore, #tpu.memory_space<semaphore_mem>>) src(%dma_wait3A_60 : memref<157x128xi32, #tpu.memory_space<hbm>>) dst(%arg7 : memref<157x128xi32, #tpu.memory_space<vmem>>)
      tpu.yield
    }) : () -> ()
    "tpu.region"() ({
      %run_scoped3A = tpu.sem_alloc : memref<!tpu.dma_semaphore, #tpu.memory_space<semaphore_mem>>
      %dma_start3A = arith.constant 0 : i32
      %dma_start3A_47 = arith.constant 0 : i32
      %dma_start3A_48 = tpu.memref_slice %arg4[%arg1, %dma_start3A, %dma_start3A_47] : memref<16x157x128xi32, #tpu.memory_space<hbm>> -> memref<1x157x128xi32, #tpu.memory_space<hbm>>
      %dma_start3A_49 = tpu.memref_squeeze %dma_start3A_48 : memref<1x157x128xi32, #tpu.memory_space<hbm>> -> memref<157x128xi32, #tpu.memory_space<hbm>>
      %dma_start3A_50 = arith.constant 0 : i32
      %dma_start3A_51 = arith.constant 0 : i32
      %dma_start3A_52 = tpu.memref_slice %arg4[%arg1, %dma_start3A_50, %dma_start3A_51] : memref<16x157x128xi32, #tpu.memory_space<hbm>> -> memref<1x157x128xi32, #tpu.memory_space<hbm>>
      %dma_start3A_53 = tpu.memref_squeeze %dma_start3A_52 : memref<1x157x128xi32, #tpu.memory_space<hbm>> -> memref<157x128xi32, #tpu.memory_space<hbm>>
      tpu.enqueue_dma source(%dma_start3A_53 : memref<157x128xi32, #tpu.memory_space<hbm>>) target(%arg8 : memref<157x128xi32, #tpu.memory_space<vmem>>) target_semaphore(%run_scoped3A : memref<!tpu.dma_semaphore, #tpu.memory_space<semaphore_mem>>)
      %dma_wait3A = arith.constant 0 : i32
      %dma_wait3A_54 = arith.constant 0 : i32
      %dma_wait3A_55 = tpu.memref_slice %arg4[%arg1, %dma_wait3A, %dma_wait3A_54] : memref<16x157x128xi32, #tpu.memory_space<hbm>> -> memref<1x157x128xi32, #tpu.memory_space<hbm>>
      %dma_wait3A_56 = tpu.memref_squeeze %dma_wait3A_55 : memref<1x157x128xi32, #tpu.memory_space<hbm>> -> memref<157x128xi32, #tpu.memory_space<hbm>>
      %dma_wait3A_57 = arith.constant 0 : i32
      %dma_wait3A_58 = arith.constant 0 : i32
      %dma_wait3A_59 = tpu.memref_slice %arg4[%arg1, %dma_wait3A_57, %dma_wait3A_58] : memref<16x157x128xi32, #tpu.memory_space<hbm>> -> memref<1x157x128xi32, #tpu.memory_space<hbm>>
      %dma_wait3A_60 = tpu.memref_squeeze %dma_wait3A_59 : memref<1x157x128xi32, #tpu.memory_space<hbm>> -> memref<157x128xi32, #tpu.memory_space<hbm>>
      tpu.wait_dma2 semaphore(%run_scoped3A : memref<!tpu.dma_semaphore, #tpu.memory_space<semaphore_mem>>) src(%dma_wait3A_60 : memref<157x128xi32, #tpu.memory_space<hbm>>) dst(%arg8 : memref<157x128xi32, #tpu.memory_space<vmem>>)
      tpu.yield
    }) : () -> ()
    %iota3A = tpu.iota {dimensions = array<i32: 0>} : vector<16xi32>
    %eq3A = arith.constant 0 : i32
    %eq3A_1 = vector.broadcast %eq3A : i32 to vector<16xi32>
    %eq3A_2 = arith.cmpi eq, %iota3A, %eq3A_1 : vector<16xi32>
    %jit3A = arith.constant 1.000000e+00 : f32
    %jit3A_3 = arith.constant 0.000000e+00 : f32
    %broadcast_in_dim3A = vector.broadcast %jit3A : f32 to vector<16xf32>
    %broadcast_in_dim3A_4 = vector.broadcast %jit3A_3 : f32 to vector<16xf32>
    %select_n3A = arith.select %eq3A_2, %broadcast_in_dim3A, %broadcast_in_dim3A_4 : vector<16xi1>, vector<16xf32>
    %broadcast_in_dim3A_5 = arith.constant 0.000000e+00 : f32
    %broadcast_in_dim3A_6 = vector.broadcast %broadcast_in_dim3A_5 : f32 to vector<16xf32>
    %scan3A = arith.constant 0 : i32
    %scan3A_7 = arith.constant 0 : i32
    %scan3A_8 = arith.constant 128 : i32
    %scan3A_9 = arith.addi %scan3A_7, %scan3A_8 : i32
    %scan3A_10 = arith.constant 1 : i32
    scf.for %scan3A_47 = %scan3A_7 to %scan3A_9 step %scan3A_10  : i32 {
      %swap3A = arith.index_cast %scan3A_47 : i32 to index
      %swap3A_48 = arith.constant 0 : index
      %swap3A_49 = tpu.vector_load %arg9[%swap3A, %swap3A_48] {strides = array<i32>} : memref<128x64xf32, #tpu.memory_space<vmem>>, vector<1x16xf32>,
      %swap3A_50 = vector.shape_cast %swap3A_49 : vector<1x16xf32> to vector<16xf32>
      %swap3A_51 = vector.shape_cast %broadcast_in_dim3A_6 : vector<16xf32> to vector<1x16xf32>
      tpu.vector_store %arg9[%swap3A, %swap3A_48], %swap3A_51 {strides = array<i32>} : memref<128x64xf32, #tpu.memory_space<vmem>>, vector<1x16xf32>,
      %swap3A_52 = arith.index_cast %scan3A_47 : i32 to index
      %swap3A_53 = arith.constant 16 : index
      %swap3A_54 = tpu.vector_load %arg9[%swap3A_52, %swap3A_53] {strides = array<i32>} : memref<128x64xf32, #tpu.memory_space<vmem>>, vector<1x16xf32>,
      %swap3A_55 = vector.shape_cast %swap3A_54 : vector<1x16xf32> to vector<16xf32>
      %swap3A_56 = vector.shape_cast %broadcast_in_dim3A_6 : vector<16xf32> to vector<1x16xf32>
      tpu.vector_store %arg9[%swap3A_52, %swap3A_53], %swap3A_56 {strides = array<i32>} : memref<128x64xf32, #tpu.memory_space<vmem>>, vector<1x16xf32>,
      %swap3A_57 = arith.index_cast %scan3A_47 : i32 to index
      %swap3A_58 = arith.constant 32 : index
      %swap3A_59 = tpu.vector_load %arg9[%swap3A_57, %swap3A_58] {strides = array<i32>} : memref<128x64xf32, #tpu.memory_space<vmem>>, vector<1x16xf32>,
      %swap3A_60 = vector.shape_cast %swap3A_59 : vector<1x16xf32> to vector<16xf32>
      %swap3A_61 = vector.shape_cast %broadcast_in_dim3A_6 : vector<16xf32> to vector<1x16xf32>
      tpu.vector_store %arg9[%swap3A_57, %swap3A_58], %swap3A_61 {strides = array<i32>} : memref<128x64xf32, #tpu.memory_space<vmem>>, vector<1x16xf32>,
      %swap3A_62 = arith.index_cast %scan3A_47 : i32 to index
      %swap3A_63 = arith.constant 48 : index
      %swap3A_64 = tpu.vector_load %arg9[%swap3A_62, %swap3A_63] {strides = array<i32>} : memref<128x64xf32, #tpu.memory_space<vmem>>, vector<1x16xf32>,
      %swap3A_65 = vector.shape_cast %swap3A_64 : vector<1x16xf32> to vector<16xf32>
      %swap3A_66 = vector.shape_cast %broadcast_in_dim3A_6 : vector<16xf32> to vector<1x16xf32>
      tpu.vector_store %arg9[%swap3A_62, %swap3A_63], %swap3A_66 {strides = array<i32>} : memref<128x64xf32, #tpu.memory_space<vmem>>, vector<1x16xf32>,
      %swap3A_67 = arith.index_cast %scan3A_47 : i32 to index
      %swap3A_68 = arith.constant 0 : index
      %swap3A_69 = tpu.vector_load %arg10[%swap3A_67, %swap3A_68] {strides = array<i32>} : memref<128x16xf32, #tpu.memory_space<vmem>>, vector<1x16xf32>,
      %swap3A_70 = vector.shape_cast %swap3A_69 : vector<1x16xf32> to vector<16xf32>
      %swap3A_71 = vector.shape_cast %broadcast_in_dim3A_6 : vector<16xf32> to vector<1x16xf32>
      tpu.vector_store %arg10[%swap3A_67, %swap3A_68], %swap3A_71 {strides = array<i32>} : memref<128x16xf32, #tpu.memory_space<vmem>>, vector<1x16xf32>,
      %swap3A_72 = arith.index_cast %scan3A_47 : i32 to index
      %swap3A_73 = arith.constant 0 : index
      %swap3A_74 = tpu.vector_load %arg11[%swap3A_72, %swap3A_73] {strides = array<i32>} : memref<128x16xf32, #tpu.memory_space<vmem>>, vector<1x16xf32>,
      %swap3A_75 = vector.shape_cast %swap3A_74 : vector<1x16xf32> to vector<16xf32>
      %swap3A_76 = vector.shape_cast %select_n3A : vector<16xf32> to vector<1x16xf32>
      tpu.vector_store %arg11[%swap3A_72, %swap3A_73], %swap3A_76 {strides = array<i32>} : memref<128x16xf32, #tpu.memory_space<vmem>>, vector<1x16xf32>,
    }
    %scan3A_11 = arith.constant 128 : i32
    %mul3A_12 = arith.constant 632 : i32
    %mul3A_13 = arith.muli %arg1, %mul3A_12 : i32
    %add3A_14 = arith.constant 0 : i32
    %add3A_15 = arith.addi %mul3A_13, %add3A_14 : i32
    "tpu.region"() ({
      %run_scoped3A = tpu.sem_alloc : memref<!tpu.dma_semaphore, #tpu.memory_space<semaphore_mem>>
      %dma_start3A = arith.constant 0 : i32
      %dma_start3A_47 = tpu.memref_slice %arg12[%add3A_15, %dma_start3A] : memref<10112x64xf32, #tpu.memory_space<vmem_shared>> -> memref<128x64xf32, #tpu.memory_space<vmem_shared>>
      %dma_start3A_48 = arith.constant 0 : i32
      %dma_start3A_49 = tpu.memref_slice %arg12[%add3A_15, %dma_start3A_48] : memref<10112x64xf32, #tpu.memory_space<vmem_shared>> -> memref<128x64xf32, #tpu.memory_space<vmem_shared>>
      tpu.enqueue_dma source(%arg9 : memref<128x64xf32, #tpu.memory_space<vmem>>) target(%dma_start3A_49 : memref<128x64xf32, #tpu.memory_space<vmem_shared>>) target_semaphore(%run_scoped3A : memref<!tpu.dma_semaphore, #tpu.memory_space<semaphore_mem>>)
      %dma_wait3A = arith.constant 0 : i32
      %dma_wait3A_50 = tpu.memref_slice %arg12[%add3A_15, %dma_wait3A] : memref<10112x64xf32, #tpu.memory_space<vmem_shared>> -> memref<128x64xf32, #tpu.memory_space<vmem_shared>>
      %dma_wait3A_51 = arith.constant 0 : i32
      %dma_wait3A_52 = tpu.memref_slice %arg12[%add3A_15, %dma_wait3A_51] : memref<10112x64xf32, #tpu.memory_space<vmem_shared>> -> memref<128x64xf32, #tpu.memory_space<vmem_shared>>
      tpu.wait_dma2 semaphore(%run_scoped3A : memref<!tpu.dma_semaphore, #tpu.memory_space<semaphore_mem>>) src(%arg9 : memref<128x64xf32, #tpu.memory_space<vmem>>) dst(%dma_wait3A_52 : memref<128x64xf32, #tpu.memory_space<vmem_shared>>)
      tpu.yield
    }) : () -> ()
    %add3A_16 = arith.constant 0 : i32
    %add3A_17 = arith.addi %mul3A_13, %add3A_16 : i32
    "tpu.region"() ({
      %run_scoped3A = tpu.sem_alloc : memref<!tpu.dma_semaphore, #tpu.memory_space<semaphore_mem>>
      %dma_start3A = arith.constant 0 : i32
      %dma_start3A_47 = tpu.memref_slice %arg13[%add3A_17, %dma_start3A] : memref<10112x16xf32, #tpu.memory_space<vmem_shared>> -> memref<128x16xf32, #tpu.memory_space<vmem_shared>>
      %dma_start3A_48 = arith.constant 0 : i32
      %dma_start3A_49 = tpu.memref_slice %arg13[%add3A_17, %dma_start3A_48] : memref<10112x16xf32, #tpu.memory_space<vmem_shared>> -> memref<128x16xf32, #tpu.memory_space<vmem_shared>>
      tpu.enqueue_dma source(%arg10 : memref<128x16xf32, #tpu.memory_space<vmem>>) target(%dma_start3A_49 : memref<128x16xf32, #tpu.memory_space<vmem_shared>>) target_semaphore(%run_scoped3A : memref<!tpu.dma_semaphore, #tpu.memory_space<semaphore_mem>>)
      %dma_wait3A = arith.constant 0 : i32
      %dma_wait3A_50 = tpu.memref_slice %arg13[%add3A_17, %dma_wait3A] : memref<10112x16xf32, #tpu.memory_space<vmem_shared>> -> memref<128x16xf32, #tpu.memory_space<vmem_shared>>
      %dma_wait3A_51 = arith.constant 0 : i32
      %dma_wait3A_52 = tpu.memref_slice %arg13[%add3A_17, %dma_wait3A_51] : memref<10112x16xf32, #tpu.memory_space<vmem_shared>> -> memref<128x16xf32, #tpu.memory_space<vmem_shared>>
      tpu.wait_dma2 semaphore(%run_scoped3A : memref<!tpu.dma_semaphore, #tpu.memory_space<semaphore_mem>>) src(%arg10 : memref<128x16xf32, #tpu.memory_space<vmem>>) dst(%dma_wait3A_52 : memref<128x16xf32, #tpu.memory_space<vmem_shared>>)
      tpu.yield
    }) : () -> ()
    %add3A_18 = arith.constant 128 : i32
    %add3A_19 = arith.addi %mul3A_13, %add3A_18 : i32
    "tpu.region"() ({
      %run_scoped3A = tpu.sem_alloc : memref<!tpu.dma_semaphore, #tpu.memory_space<semaphore_mem>>
      %dma_start3A = arith.constant 0 : i32
      %dma_start3A_47 = tpu.memref_slice %arg12[%add3A_19, %dma_start3A] : memref<10112x64xf32, #tpu.memory_space<vmem_shared>> -> memref<128x64xf32, #tpu.memory_space<vmem_shared>>
      %dma_start3A_48 = arith.constant 0 : i32
      %dma_start3A_49 = tpu.memref_slice %arg12[%add3A_19, %dma_start3A_48] : memref<10112x64xf32, #tpu.memory_space<vmem_shared>> -> memref<128x64xf32, #tpu.memory_space<vmem_shared>>
      tpu.enqueue_dma source(%arg9 : memref<128x64xf32, #tpu.memory_space<vmem>>) target(%dma_start3A_49 : memref<128x64xf32, #tpu.memory_space<vmem_shared>>) target_semaphore(%run_scoped3A : memref<!tpu.dma_semaphore, #tpu.memory_space<semaphore_mem>>)
      %dma_wait3A = arith.constant 0 : i32
      %dma_wait3A_50 = tpu.memref_slice %arg12[%add3A_19, %dma_wait3A] : memref<10112x64xf32, #tpu.memory_space<vmem_shared>> -> memref<128x64xf32, #tpu.memory_space<vmem_shared>>
      %dma_wait3A_51 = arith.constant 0 : i32
      %dma_wait3A_52 = tpu.memref_slice %arg12[%add3A_19, %dma_wait3A_51] : memref<10112x64xf32, #tpu.memory_space<vmem_shared>> -> memref<128x64xf32, #tpu.memory_space<vmem_shared>>
      tpu.wait_dma2 semaphore(%run_scoped3A : memref<!tpu.dma_semaphore, #tpu.memory_space<semaphore_mem>>) src(%arg9 : memref<128x64xf32, #tpu.memory_space<vmem>>) dst(%dma_wait3A_52 : memref<128x64xf32, #tpu.memory_space<vmem_shared>>)
      tpu.yield
    }) : () -> ()
    %add3A_20 = arith.constant 128 : i32
    %add3A_21 = arith.addi %mul3A_13, %add3A_20 : i32
    "tpu.region"() ({
      %run_scoped3A = tpu.sem_alloc : memref<!tpu.dma_semaphore, #tpu.memory_space<semaphore_mem>>
      %dma_start3A = arith.constant 0 : i32
      %dma_start3A_47 = tpu.memref_slice %arg13[%add3A_21, %dma_start3A] : memref<10112x16xf32, #tpu.memory_space<vmem_shared>> -> memref<128x16xf32, #tpu.memory_space<vmem_shared>>
      %dma_start3A_48 = arith.constant 0 : i32
      %dma_start3A_49 = tpu.memref_slice %arg13[%add3A_21, %dma_start3A_48] : memref<10112x16xf32, #tpu.memory_space<vmem_shared>> -> memref<128x16xf32, #tpu.memory_space<vmem_shared>>
      tpu.enqueue_dma source(%arg10 : memref<128x16xf32, #tpu.memory_space<vmem>>) target(%dma_start3A_49 : memref<128x16xf32, #tpu.memory_space<vmem_shared>>) target_semaphore(%run_scoped3A : memref<!tpu.dma_semaphore, #tpu.memory_space<semaphore_mem>>)
      %dma_wait3A = arith.constant 0 : i32
      %dma_wait3A_50 = tpu.memref_slice %arg13[%add3A_21, %dma_wait3A] : memref<10112x16xf32, #tpu.memory_space<vmem_shared>> -> memref<128x16xf32, #tpu.memory_space<vmem_shared>>
      %dma_wait3A_51 = arith.constant 0 : i32
      %dma_wait3A_52 = tpu.memref_slice %arg13[%add3A_21, %dma_wait3A_51] : memref<10112x16xf32, #tpu.memory_space<vmem_shared>> -> memref<128x16xf32, #tpu.memory_space<vmem_shared>>
      tpu.wait_dma2 semaphore(%run_scoped3A : memref<!tpu.dma_semaphore, #tpu.memory_space<semaphore_mem>>) src(%arg10 : memref<128x16xf32, #tpu.memory_space<vmem>>) dst(%dma_wait3A_52 : memref<128x16xf32, #tpu.memory_space<vmem_shared>>)
      tpu.yield
    }) : () -> ()
    %add3A_22 = arith.constant 256 : i32
    %add3A_23 = arith.addi %mul3A_13, %add3A_22 : i32
    "tpu.region"() ({
      %run_scoped3A = tpu.sem_alloc : memref<!tpu.dma_semaphore, #tpu.memory_space<semaphore_mem>>
      %dma_start3A = arith.constant 0 : i32
      %dma_start3A_47 = tpu.memref_slice %arg12[%add3A_23, %dma_start3A] : memref<10112x64xf32, #tpu.memory_space<vmem_shared>> -> memref<128x64xf32, #tpu.memory_space<vmem_shared>>
      %dma_start3A_48 = arith.constant 0 : i32
      %dma_start3A_49 = tpu.memref_slice %arg12[%add3A_23, %dma_start3A_48] : memref<10112x64xf32, #tpu.memory_space<vmem_shared>> -> memref<128x64xf32, #tpu.memory_space<vmem_shared>>
      tpu.enqueue_dma source(%arg9 : memref<128x64xf32, #tpu.memory_space<vmem>>) target(%dma_start3A_49 : memref<128x64xf32, #tpu.memory_space<vmem_shared>>) target_semaphore(%run_scoped3A : memref<!tpu.dma_semaphore, #tpu.memory_space<semaphore_mem>>)
      %dma_wait3A = arith.constant 0 : i32
      %dma_wait3A_50 = tpu.memref_slice %arg12[%add3A_23, %dma_wait3A] : memref<10112x64xf32, #tpu.memory_space<vmem_shared>> -> memref<128x64xf32, #tpu.memory_space<vmem_shared>>
      %dma_wait3A_51 = arith.constant 0 : i32
      %dma_wait3A_52 = tpu.memref_slice %arg12[%add3A_23, %dma_wait3A_51] : memref<10112x64xf32, #tpu.memory_space<vmem_shared>> -> memref<128x64xf32, #tpu.memory_space<vmem_shared>>
      tpu.wait_dma2 semaphore(%run_scoped3A : memref<!tpu.dma_semaphore, #tpu.memory_space<semaphore_mem>>) src(%arg9 : memref<128x64xf32, #tpu.memory_space<vmem>>) dst(%dma_wait3A_52 : memref<128x64xf32, #tpu.memory_space<vmem_shared>>)
      tpu.yield
    }) : () -> ()
    %add3A_24 = arith.constant 256 : i32
    %add3A_25 = arith.addi %mul3A_13, %add3A_24 : i32
    "tpu.region"() ({
      %run_scoped3A = tpu.sem_alloc : memref<!tpu.dma_semaphore, #tpu.memory_space<semaphore_mem>>
      %dma_start3A = arith.constant 0 : i32
      %dma_start3A_47 = tpu.memref_slice %arg13[%add3A_25, %dma_start3A] : memref<10112x16xf32, #tpu.memory_space<vmem_shared>> -> memref<128x16xf32, #tpu.memory_space<vmem_shared>>
      %dma_start3A_48 = arith.constant 0 : i32
      %dma_start3A_49 = tpu.memref_slice %arg13[%add3A_25, %dma_start3A_48] : memref<10112x16xf32, #tpu.memory_space<vmem_shared>> -> memref<128x16xf32, #tpu.memory_space<vmem_shared>>
      tpu.enqueue_dma source(%arg10 : memref<128x16xf32, #tpu.memory_space<vmem>>) target(%dma_start3A_49 : memref<128x16xf32, #tpu.memory_space<vmem_shared>>) target_semaphore(%run_scoped3A : memref<!tpu.dma_semaphore, #tpu.memory_space<semaphore_mem>>)
      %dma_wait3A = arith.constant 0 : i32
      %dma_wait3A_50 = tpu.memref_slice %arg13[%add3A_25, %dma_wait3A] : memref<10112x16xf32, #tpu.memory_space<vmem_shared>> -> memref<128x16xf32, #tpu.memory_space<vmem_shared>>
      %dma_wait3A_51 = arith.constant 0 : i32
      %dma_wait3A_52 = tpu.memref_slice %arg13[%add3A_25, %dma_wait3A_51] : memref<10112x16xf32, #tpu.memory_space<vmem_shared>> -> memref<128x16xf32, #tpu.memory_space<vmem_shared>>
      tpu.wait_dma2 semaphore(%run_scoped3A : memref<!tpu.dma_semaphore, #tpu.memory_space<semaphore_mem>>) src(%arg10 : memref<128x16xf32, #tpu.memory_space<vmem>>) dst(%dma_wait3A_52 : memref<128x16xf32, #tpu.memory_space<vmem_shared>>)
      tpu.yield
    }) : () -> ()
    %add3A_26 = arith.constant 384 : i32
    %add3A_27 = arith.addi %mul3A_13, %add3A_26 : i32
    "tpu.region"() ({
      %run_scoped3A = tpu.sem_alloc : memref<!tpu.dma_semaphore, #tpu.memory_space<semaphore_mem>>
      %dma_start3A = arith.constant 0 : i32
      %dma_start3A_47 = tpu.memref_slice %arg12[%add3A_27, %dma_start3A] : memref<10112x64xf32, #tpu.memory_space<vmem_shared>> -> memref<128x64xf32, #tpu.memory_space<vmem_shared>>
      %dma_start3A_48 = arith.constant 0 : i32
      %dma_start3A_49 = tpu.memref_slice %arg12[%add3A_27, %dma_start3A_48] : memref<10112x64xf32, #tpu.memory_space<vmem_shared>> -> memref<128x64xf32, #tpu.memory_space<vmem_shared>>
      tpu.enqueue_dma source(%arg9 : memref<128x64xf32, #tpu.memory_space<vmem>>) target(%dma_start3A_49 : memref<128x64xf32, #tpu.memory_space<vmem_shared>>) target_semaphore(%run_scoped3A : memref<!tpu.dma_semaphore, #tpu.memory_space<semaphore_mem>>)
      %dma_wait3A = arith.constant 0 : i32
      %dma_wait3A_50 = tpu.memref_slice %arg12[%add3A_27, %dma_wait3A] : memref<10112x64xf32, #tpu.memory_space<vmem_shared>> -> memref<128x64xf32, #tpu.memory_space<vmem_shared>>
      %dma_wait3A_51 = arith.constant 0 : i32
      %dma_wait3A_52 = tpu.memref_slice %arg12[%add3A_27, %dma_wait3A_51] : memref<10112x64xf32, #tpu.memory_space<vmem_shared>> -> memref<128x64xf32, #tpu.memory_space<vmem_shared>>
      tpu.wait_dma2 semaphore(%run_scoped3A : memref<!tpu.dma_semaphore, #tpu.memory_space<semaphore_mem>>) src(%arg9 : memref<128x64xf32, #tpu.memory_space<vmem>>) dst(%dma_wait3A_52 : memref<128x64xf32, #tpu.memory_space<vmem_shared>>)
      tpu.yield
    }) : () -> ()
    %add3A_28 = arith.constant 384 : i32
    %add3A_29 = arith.addi %mul3A_13, %add3A_28 : i32
    "tpu.region"() ({
      %run_scoped3A = tpu.sem_alloc : memref<!tpu.dma_semaphore, #tpu.memory_space<semaphore_mem>>
      %dma_start3A = arith.constant 0 : i32
      %dma_start3A_47 = tpu.memref_slice %arg13[%add3A_29, %dma_start3A] : memref<10112x16xf32, #tpu.memory_space<vmem_shared>> -> memref<128x16xf32, #tpu.memory_space<vmem_shared>>
      %dma_start3A_48 = arith.constant 0 : i32
      %dma_start3A_49 = tpu.memref_slice %arg13[%add3A_29, %dma_start3A_48] : memref<10112x16xf32, #tpu.memory_space<vmem_shared>> -> memref<128x16xf32, #tpu.memory_space<vmem_shared>>
      tpu.enqueue_dma source(%arg10 : memref<128x16xf32, #tpu.memory_space<vmem>>) target(%dma_start3A_49 : memref<128x16xf32, #tpu.memory_space<vmem_shared>>) target_semaphore(%run_scoped3A : memref<!tpu.dma_semaphore, #tpu.memory_space<semaphore_mem>>)
      %dma_wait3A = arith.constant 0 : i32
      %dma_wait3A_50 = tpu.memref_slice %arg13[%add3A_29, %dma_wait3A] : memref<10112x16xf32, #tpu.memory_space<vmem_shared>> -> memref<128x16xf32, #tpu.memory_space<vmem_shared>>
      %dma_wait3A_51 = arith.constant 0 : i32
      %dma_wait3A_52 = tpu.memref_slice %arg13[%add3A_29, %dma_wait3A_51] : memref<10112x16xf32, #tpu.memory_space<vmem_shared>> -> memref<128x16xf32, #tpu.memory_space<vmem_shared>>
      tpu.wait_dma2 semaphore(%run_scoped3A : memref<!tpu.dma_semaphore, #tpu.memory_space<semaphore_mem>>) src(%arg10 : memref<128x16xf32, #tpu.memory_space<vmem>>) dst(%dma_wait3A_52 : memref<128x16xf32, #tpu.memory_space<vmem_shared>>)
      tpu.yield
    }) : () -> ()
    %add3A_30 = arith.constant 512 : i32
    %add3A_31 = arith.addi %mul3A_13, %add3A_30 : i32
    "tpu.region"() ({
      %run_scoped3A = tpu.sem_alloc : memref<!tpu.dma_semaphore, #tpu.memory_space<semaphore_mem>>
      %dma_start3A = arith.constant 0 : i32
      %dma_start3A_47 = arith.constant 0 : i32
      %dma_start3A_48 = tpu.memref_slice %arg9[%dma_start3A, %dma_start3A_47] : memref<128x64xf32, #tpu.memory_space<vmem>> -> memref<120x64xf32, #tpu.memory_space<vmem>>
      %dma_start3A_49 = arith.constant 0 : i32
      %dma_start3A_50 = tpu.memref_slice %arg12[%add3A_31, %dma_start3A_49] : memref<10112x64xf32, #tpu.memory_space<vmem_shared>> -> memref<120x64xf32, #tpu.memory_space<vmem_shared>>
      %dma_start3A_51 = arith.constant 0 : i32
      %dma_start3A_52 = tpu.memref_slice %arg12[%add3A_31, %dma_start3A_51] : memref<10112x64xf32, #tpu.memory_space<vmem_shared>> -> memref<120x64xf32, #tpu.memory_space<vmem_shared>>
      %dma_start3A_53 = arith.constant 0 : i32
      %dma_start3A_54 = arith.constant 0 : i32
      %dma_start3A_55 = tpu.memref_slice %arg9[%dma_start3A_53, %dma_start3A_54] : memref<128x64xf32, #tpu.memory_space<vmem>> -> memref<120x64xf32, #tpu.memory_space<vmem>>
      tpu.enqueue_dma source(%dma_start3A_55 : memref<120x64xf32, #tpu.memory_space<vmem>>) target(%dma_start3A_52 : memref<120x64xf32, #tpu.memory_space<vmem_shared>>) target_semaphore(%run_scoped3A : memref<!tpu.dma_semaphore, #tpu.memory_space<semaphore_mem>>)
      %dma_wait3A = arith.constant 0 : i32
      %dma_wait3A_56 = arith.constant 0 : i32
      %dma_wait3A_57 = tpu.memref_slice %arg9[%dma_wait3A, %dma_wait3A_56] : memref<128x64xf32, #tpu.memory_space<vmem>> -> memref<120x64xf32, #tpu.memory_space<vmem>>
      %dma_wait3A_58 = arith.constant 0 : i32
      %dma_wait3A_59 = tpu.memref_slice %arg12[%add3A_31, %dma_wait3A_58] : memref<10112x64xf32, #tpu.memory_space<vmem_shared>> -> memref<120x64xf32, #tpu.memory_space<vmem_shared>>
      %dma_wait3A_60 = arith.constant 0 : i32
      %dma_wait3A_61 = tpu.memref_slice %arg12[%add3A_31, %dma_wait3A_60] : memref<10112x64xf32, #tpu.memory_space<vmem_shared>> -> memref<120x64xf32, #tpu.memory_space<vmem_shared>>
      %dma_wait3A_62 = arith.constant 0 : i32
      %dma_wait3A_63 = arith.constant 0 : i32
      %dma_wait3A_64 = tpu.memref_slice %arg9[%dma_wait3A_62, %dma_wait3A_63] : memref<128x64xf32, #tpu.memory_space<vmem>> -> memref<120x64xf32, #tpu.memory_space<vmem>>
      tpu.wait_dma2 semaphore(%run_scoped3A : memref<!tpu.dma_semaphore, #tpu.memory_space<semaphore_mem>>) src(%dma_wait3A_64 : memref<120x64xf32, #tpu.memory_space<vmem>>) dst(%dma_wait3A_61 : memref<120x64xf32, #tpu.memory_space<vmem_shared>>)
      tpu.yield
    }) : () -> ()
    %add3A_32 = arith.constant 512 : i32
    %add3A_33 = arith.addi %mul3A_13, %add3A_32 : i32
    "tpu.region"() ({
      %run_scoped3A = tpu.sem_alloc : memref<!tpu.dma_semaphore, #tpu.memory_space<semaphore_mem>>
      %dma_start3A = arith.constant 0 : i32
      %dma_start3A_47 = arith.constant 0 : i32
      %dma_start3A_48 = tpu.memref_slice %arg10[%dma_start3A, %dma_start3A_47] : memref<128x16xf32, #tpu.memory_space<vmem>> -> memref<120x16xf32, #tpu.memory_space<vmem>>
      %dma_start3A_49 = arith.constant 0 : i32
      %dma_start3A_50 = tpu.memref_slice %arg13[%add3A_33, %dma_start3A_49] : memref<10112x16xf32, #tpu.memory_space<vmem_shared>> -> memref<120x16xf32, #tpu.memory_space<vmem_shared>>
      %dma_start3A_51 = arith.constant 0 : i32
      %dma_start3A_52 = tpu.memref_slice %arg13[%add3A_33, %dma_start3A_51] : memref<10112x16xf32, #tpu.memory_space<vmem_shared>> -> memref<120x16xf32, #tpu.memory_space<vmem_shared>>
      %dma_start3A_53 = arith.constant 0 : i32
      %dma_start3A_54 = arith.constant 0 : i32
      %dma_start3A_55 = tpu.memref_slice %arg10[%dma_start3A_53, %dma_start3A_54] : memref<128x16xf32, #tpu.memory_space<vmem>> -> memref<120x16xf32, #tpu.memory_space<vmem>>
      tpu.enqueue_dma source(%dma_start3A_55 : memref<120x16xf32, #tpu.memory_space<vmem>>) target(%dma_start3A_52 : memref<120x16xf32, #tpu.memory_space<vmem_shared>>) target_semaphore(%run_scoped3A : memref<!tpu.dma_semaphore, #tpu.memory_space<semaphore_mem>>)
      %dma_wait3A = arith.constant 0 : i32
      %dma_wait3A_56 = arith.constant 0 : i32
      %dma_wait3A_57 = tpu.memref_slice %arg10[%dma_wait3A, %dma_wait3A_56] : memref<128x16xf32, #tpu.memory_space<vmem>> -> memref<120x16xf32, #tpu.memory_space<vmem>>
      %dma_wait3A_58 = arith.constant 0 : i32
      %dma_wait3A_59 = tpu.memref_slice %arg13[%add3A_33, %dma_wait3A_58] : memref<10112x16xf32, #tpu.memory_space<vmem_shared>> -> memref<120x16xf32, #tpu.memory_space<vmem_shared>>
      %dma_wait3A_60 = arith.constant 0 : i32
      %dma_wait3A_61 = tpu.memref_slice %arg13[%add3A_33, %dma_wait3A_60] : memref<10112x16xf32, #tpu.memory_space<vmem_shared>> -> memref<120x16xf32, #tpu.memory_space<vmem_shared>>
      %dma_wait3A_62 = arith.constant 0 : i32
      %dma_wait3A_63 = arith.constant 0 : i32
      %dma_wait3A_64 = tpu.memref_slice %arg10[%dma_wait3A_62, %dma_wait3A_63] : memref<128x16xf32, #tpu.memory_space<vmem>> -> memref<120x16xf32, #tpu.memory_space<vmem>>
      tpu.wait_dma2 semaphore(%run_scoped3A : memref<!tpu.dma_semaphore, #tpu.memory_space<semaphore_mem>>) src(%dma_wait3A_64 : memref<120x16xf32, #tpu.memory_space<vmem>>) dst(%dma_wait3A_61 : memref<120x16xf32, #tpu.memory_space<vmem_shared>>)
      tpu.yield
    }) : () -> ()
    %barrier3A = arith.constant 0 : index
    tpu.barrier barrier_id(%barrier3A)
    %scan3A_34 = arith.constant 0 : i32
    %scan3A_35 = arith.constant 0 : i32
    %scan3A_36 = arith.constant 157 : i32
    %scan3A_37 = arith.addi %scan3A_35, %scan3A_36 : i32
    %scan3A_38 = arith.constant 1 : i32
    scf.for %scan3A_47 = %scan3A_35 to %scan3A_37 step %scan3A_38  : i32 {
      %dma_start3A = arith.constant 0 : i32
      %dma_start3A_48 = tpu.memref_slice %arg7[%scan3A_47, %dma_start3A] : memref<157x128xi32, #tpu.memory_space<vmem>> -> memref<1x128xi32, #tpu.memory_space<vmem>>
      %dma_start3A_49 = tpu.memref_squeeze %dma_start3A_48 : memref<1x128xi32, #tpu.memory_space<vmem>> -> memref<128xi32, #tpu.memory_space<vmem>>
      %dma_start3A_50 = arith.constant 0 : i32
      %dma_start3A_51 = arith.constant 0 : i32
      %dma_start3A_52 = tpu.memref_slice %arg2[%dma_start3A_50, %dma_start3A_51] : memref<20000x64xf32, #tpu.memory_space<hbm>> -> memref<20000x64xf32, #tpu.memory_space<hbm>>
      tpu.enqueue_indirect_dma source(%dma_start3A_52 : memref<20000x64xf32, #tpu.memory_space<hbm>>) target(%arg9 : memref<128x64xf32, #tpu.memory_space<vmem>>) offsets(%dma_start3A_49 : memref<128xi32, #tpu.memory_space<vmem>>) semaphore(%arg14 : memref<!tpu.dma_semaphore, #tpu.memory_space<semaphore_mem>>)
      %dma_wait3A = arith.constant 0 : i32
      %dma_wait3A_53 = tpu.memref_slice %arg7[%scan3A_47, %dma_wait3A] : memref<157x128xi32, #tpu.memory_space<vmem>> -> memref<1x128xi32, #tpu.memory_space<vmem>>
      %dma_wait3A_54 = tpu.memref_squeeze %dma_wait3A_53 : memref<1x128xi32, #tpu.memory_space<vmem>> -> memref<128xi32, #tpu.memory_space<vmem>>
      %dma_wait3A_55 = arith.constant 0 : i32
      %dma_wait3A_56 = arith.constant 0 : i32
      %dma_wait3A_57 = tpu.memref_slice %arg2[%dma_wait3A_55, %dma_wait3A_56] : memref<20000x64xf32, #tpu.memory_space<hbm>> -> memref<20000x64xf32, #tpu.memory_space<hbm>>
      tpu.wait_indirect_dma semaphore(%arg14 : memref<!tpu.dma_semaphore, #tpu.memory_space<semaphore_mem>>) src(%dma_wait3A_57 : memref<20000x64xf32, #tpu.memory_space<hbm>>) dst(%arg9 : memref<128x64xf32, #tpu.memory_space<vmem>>)
      "tpu.region"() ({
        %run_scoped3A = tpu.sem_alloc : memref<!tpu.dma_semaphore, #tpu.memory_space<semaphore_mem>>
        %dma_start3A_63 = arith.constant 0 : i32
        %dma_start3A_64 = tpu.memref_slice %arg8[%scan3A_47, %dma_start3A_63] : memref<157x128xi32, #tpu.memory_space<vmem>> -> memref<1x128xi32, #tpu.memory_space<vmem>>
        %dma_start3A_65 = tpu.memref_squeeze %dma_start3A_64 : memref<1x128xi32, #tpu.memory_space<vmem>> -> memref<128xi32, #tpu.memory_space<vmem>>
        %dma_start3A_66 = arith.constant 0 : i32
        %dma_start3A_67 = arith.constant 0 : i32
        %dma_start3A_68 = tpu.memref_slice %arg12[%dma_start3A_66, %dma_start3A_67] : memref<10112x64xf32, #tpu.memory_space<vmem_shared>> -> memref<10112x64xf32, #tpu.memory_space<vmem_shared>>
        tpu.enqueue_indirect_dma source(%arg9 : memref<128x64xf32, #tpu.memory_space<vmem>>) target(%dma_start3A_68 : memref<10112x64xf32, #tpu.memory_space<vmem_shared>>) offsets(%dma_start3A_65 : memref<128xi32, #tpu.memory_space<vmem>>) semaphore(%run_scoped3A : memref<!tpu.dma_semaphore, #tpu.memory_space<semaphore_mem>>) {add = true}
        %dma_wait3A_69 = arith.constant 0 : i32
        %dma_wait3A_70 = tpu.memref_slice %arg8[%scan3A_47, %dma_wait3A_69] : memref<157x128xi32, #tpu.memory_space<vmem>> -> memref<1x128xi32, #tpu.memory_space<vmem>>
        %dma_wait3A_71 = tpu.memref_squeeze %dma_wait3A_70 : memref<1x128xi32, #tpu.memory_space<vmem>> -> memref<128xi32, #tpu.memory_space<vmem>>
        %dma_wait3A_72 = arith.constant 0 : i32
        %dma_wait3A_73 = arith.constant 0 : i32
        %dma_wait3A_74 = tpu.memref_slice %arg12[%dma_wait3A_72, %dma_wait3A_73] : memref<10112x64xf32, #tpu.memory_space<vmem_shared>> -> memref<10112x64xf32, #tpu.memory_space<vmem_shared>>
        tpu.wait_indirect_dma semaphore(%run_scoped3A : memref<!tpu.dma_semaphore, #tpu.memory_space<semaphore_mem>>) src(%arg9 : memref<128x64xf32, #tpu.memory_space<vmem>>) dst(%dma_wait3A_74 : memref<10112x64xf32, #tpu.memory_space<vmem_shared>>)
        tpu.yield
      }) : () -> ()
      %eq3A_58 = arith.constant 0 : i32
      %eq3A_59 = arith.cmpi eq, %arg0, %eq3A_58 : i32
      %convert_element_type3A_60 = arith.extui %eq3A_59 : i1 to i32
      %cond3A_61 = arith.constant 0 : i32
      %cond3A_62 = arith.cmpi ne, %convert_element_type3A_60, %cond3A_61 : i32
      scf.if %cond3A_62 {
        "tpu.region"() ({
          %run_scoped3A = tpu.sem_alloc : memref<!tpu.dma_semaphore, #tpu.memory_space<semaphore_mem>>
          %dma_start3A_63 = arith.constant 0 : i32
          %dma_start3A_64 = tpu.memref_slice %arg8[%scan3A_47, %dma_start3A_63] : memref<157x128xi32, #tpu.memory_space<vmem>> -> memref<1x128xi32, #tpu.memory_space<vmem>>
          %dma_start3A_65 = tpu.memref_squeeze %dma_start3A_64 : memref<1x128xi32, #tpu.memory_space<vmem>> -> memref<128xi32, #tpu.memory_space<vmem>>
          %dma_start3A_66 = arith.constant 0 : i32
          %dma_start3A_67 = arith.constant 0 : i32
          %dma_start3A_68 = tpu.memref_slice %arg13[%dma_start3A_66, %dma_start3A_67] : memref<10112x16xf32, #tpu.memory_space<vmem_shared>> -> memref<10112x16xf32, #tpu.memory_space<vmem_shared>>
          tpu.enqueue_indirect_dma source(%arg11 : memref<128x16xf32, #tpu.memory_space<vmem>>) target(%dma_start3A_68 : memref<10112x16xf32, #tpu.memory_space<vmem_shared>>) offsets(%dma_start3A_65 : memref<128xi32, #tpu.memory_space<vmem>>) semaphore(%run_scoped3A : memref<!tpu.dma_semaphore, #tpu.memory_space<semaphore_mem>>) {add = true}
          %dma_wait3A_69 = arith.constant 0 : i32
          %dma_wait3A_70 = tpu.memref_slice %arg8[%scan3A_47, %dma_wait3A_69] : memref<157x128xi32, #tpu.memory_space<vmem>> -> memref<1x128xi32, #tpu.memory_space<vmem>>
          %dma_wait3A_71 = tpu.memref_squeeze %dma_wait3A_70 : memref<1x128xi32, #tpu.memory_space<vmem>> -> memref<128xi32, #tpu.memory_space<vmem>>
          %dma_wait3A_72 = arith.constant 0 : i32
          %dma_wait3A_73 = arith.constant 0 : i32
          %dma_wait3A_74 = tpu.memref_slice %arg13[%dma_wait3A_72, %dma_wait3A_73] : memref<10112x16xf32, #tpu.memory_space<vmem_shared>> -> memref<10112x16xf32, #tpu.memory_space<vmem_shared>>
          tpu.wait_indirect_dma semaphore(%run_scoped3A : memref<!tpu.dma_semaphore, #tpu.memory_space<semaphore_mem>>) src(%arg11 : memref<128x16xf32, #tpu.memory_space<vmem>>) dst(%dma_wait3A_74 : memref<10112x16xf32, #tpu.memory_space<vmem_shared>>)
          tpu.yield
        }) : () -> ()
      } else {
      }
    }
    %scan3A_39 = arith.constant 157 : i32
    %barrier3A_40 = arith.constant 0 : index
    tpu.barrier barrier_id(%barrier3A_40)
    %mul3A_41 = arith.constant 10112 : i32
    %mul3A_42 = arith.muli %arg0, %mul3A_41 : i32
    %add3A_43 = arith.addi %mul3A_42, %mul3A_13 : i32
    "tpu.region"() ({
      %run_scoped3A = tpu.sem_alloc : memref<!tpu.dma_semaphore, #tpu.memory_space<semaphore_mem>>
      %dma_start3A = arith.constant 0 : i32
      %dma_start3A_47 = tpu.memref_slice %arg5[%add3A_43, %dma_start3A] : memref<20224x64xf32, #tpu.memory_space<hbm>> -> memref<632x64xf32, #tpu.memory_space<hbm>>
      %dma_start3A_48 = arith.constant 0 : i32
      %dma_start3A_49 = tpu.memref_slice %arg12[%mul3A_13, %dma_start3A_48] : memref<10112x64xf32, #tpu.memory_space<vmem_shared>> -> memref<632x64xf32, #tpu.memory_space<vmem_shared>>
      tpu.enqueue_dma source(%dma_start3A_49 : memref<632x64xf32, #tpu.memory_space<vmem_shared>>) target(%dma_start3A_47 : memref<632x64xf32, #tpu.memory_space<hbm>>) target_semaphore(%run_scoped3A : memref<!tpu.dma_semaphore, #tpu.memory_space<semaphore_mem>>)
      %dma_wait3A = arith.constant 0 : i32
      %dma_wait3A_50 = tpu.memref_slice %arg5[%add3A_43, %dma_wait3A] : memref<20224x64xf32, #tpu.memory_space<hbm>> -> memref<632x64xf32, #tpu.memory_space<hbm>>
      %dma_wait3A_51 = arith.constant 0 : i32
      %dma_wait3A_52 = tpu.memref_slice %arg12[%mul3A_13, %dma_wait3A_51] : memref<10112x64xf32, #tpu.memory_space<vmem_shared>> -> memref<632x64xf32, #tpu.memory_space<vmem_shared>>
      tpu.wait_dma2 semaphore(%run_scoped3A : memref<!tpu.dma_semaphore, #tpu.memory_space<semaphore_mem>>) src(%dma_wait3A_52 : memref<632x64xf32, #tpu.memory_space<vmem_shared>>) dst(%dma_wait3A_50 : memref<632x64xf32, #tpu.memory_space<hbm>>)
      tpu.yield
    }) : () -> ()
    %eq3A_44 = arith.constant 0 : i32
    %eq3A_45 = arith.cmpi eq, %arg0, %eq3A_44 : i32
    %convert_element_type3A = arith.extui %eq3A_45 : i1 to i32
    %cond3A = arith.constant 0 : i32
    %cond3A_46 = arith.cmpi ne, %convert_element_type3A, %cond3A : i32
    scf.if %cond3A_46 {
      "tpu.region"() ({
        %run_scoped3A = tpu.sem_alloc : memref<!tpu.dma_semaphore, #tpu.memory_space<semaphore_mem>>
        %dma_start3A = arith.constant 0 : i32
        %dma_start3A_47 = tpu.memref_slice %arg6[%mul3A_13, %dma_start3A] : memref<10112x16xf32, #tpu.memory_space<hbm>> -> memref<632x16xf32, #tpu.memory_space<hbm>>
        %dma_start3A_48 = arith.constant 0 : i32
        %dma_start3A_49 = tpu.memref_slice %arg13[%mul3A_13, %dma_start3A_48] : memref<10112x16xf32, #tpu.memory_space<vmem_shared>> -> memref<632x16xf32, #tpu.memory_space<vmem_shared>>
        tpu.enqueue_dma source(%dma_start3A_49 : memref<632x16xf32, #tpu.memory_space<vmem_shared>>) target(%dma_start3A_47 : memref<632x16xf32, #tpu.memory_space<hbm>>) target_semaphore(%run_scoped3A : memref<!tpu.dma_semaphore, #tpu.memory_space<semaphore_mem>>)
        %dma_wait3A = arith.constant 0 : i32
        %dma_wait3A_50 = tpu.memref_slice %arg6[%mul3A_13, %dma_wait3A] : memref<10112x16xf32, #tpu.memory_space<hbm>> -> memref<632x16xf32, #tpu.memory_space<hbm>>
        %dma_wait3A_51 = arith.constant 0 : i32
        %dma_wait3A_52 = tpu.memref_slice %arg13[%mul3A_13, %dma_wait3A_51] : memref<10112x16xf32, #tpu.memory_space<vmem_shared>> -> memref<632x16xf32, #tpu.memory_space<vmem_shared>>
        tpu.wait_dma2 semaphore(%run_scoped3A : memref<!tpu.dma_semaphore, #tpu.memory_space<semaphore_mem>>) src(%dma_wait3A_52 : memref<632x16xf32, #tpu.memory_space<vmem_shared>>) dst(%dma_wait3A_50 : memref<632x16xf32, #tpu.memory_space<hbm>>)
        tpu.yield
      }) : () -> ()
    } else {
    }
    return
  }
}

module attributes {stable_mosaic.version = 14 : i64} {
  func.func @body(%arg0: memref<10000x64xf32, #tpu.memory_space<vmem>>, %arg1: memref<10000x64xf32, #tpu.memory_space<vmem>>, %arg2: memref<10000x16xf32, #tpu.memory_space<vmem>>, %arg3: memref<10000x128xf32, #tpu.memory_space<vmem>>, %arg4: memref<128x128xf32, #tpu.memory_space<vmem>>, %arg5: memref<1x128xf32, #tpu.memory_space<vmem>>, %arg6: memref<128x128xf32, #tpu.memory_space<vmem>>, %arg7: memref<1x128xf32, #tpu.memory_space<vmem>>, %arg8: memref<1x128xf32, #tpu.memory_space<vmem>>, %arg9: memref<20000x64xf32, #tpu.memory_space<vmem>>) attributes {dimension_semantics = [], scalar_prefetch = 0 : i64, scratch_operands = 0 : i64, tpu.core_type = #tpu.core_type<tc>} {
    %get3A = arith.constant 0 : index
    %get3A_0 = arith.constant 0 : index
    %get3A_1 = vector.load %arg0[%get3A, %get3A_0] : memref<10000x64xf32, #tpu.memory_space<vmem>>, vector<10000x64xf32>
    %get3A_2 = arith.constant 0 : index
    %get3A_3 = arith.constant 0 : index
    %get3A_4 = vector.load %arg1[%get3A_2, %get3A_3] : memref<10000x64xf32, #tpu.memory_space<vmem>>, vector<10000x64xf32>
    %concatenate3A = tpu.concatenate %get3A_1, %get3A_4 in 1 : vector<10000x64xf32>, vector<10000x64xf32> -> vector<10000x128xf32>
    %get3A_5 = arith.constant 0 : index
    %get3A_6 = arith.constant 0 : index
    %get3A_7 = vector.load %arg2[%get3A_5, %get3A_6] : memref<10000x16xf32, #tpu.memory_space<vmem>>, vector<10000x16xf32>
    %slice3A = vector.extract_strided_slice %get3A_7 {offsets = [0, 0], sizes = [10000, 1], strides = [1, 1]} : vector<10000x16xf32> to vector<10000x1xf32>
    %max3A = arith.constant 1.000000e+00 : f32
    %max3A_8 = vector.broadcast %max3A : f32 to vector<10000x1xf32>
    %max3A_9 = arith.maximumf %slice3A, %max3A_8 : vector<10000x1xf32>
    %div3A = vector.broadcast %max3A_9 : vector<10000x1xf32> to vector<10000x128xf32>
    %div3A_10 = arith.divf %concatenate3A, %div3A : vector<10000x128xf32>
    %get3A_11 = arith.constant 0 : index
    %get3A_12 = arith.constant 0 : index
    %get3A_13 = vector.load %arg3[%get3A_11, %get3A_12] : memref<10000x128xf32, #tpu.memory_space<vmem>>, vector<10000x128xf32>
    %get3A_14 = arith.constant 0 : index
    %get3A_15 = arith.constant 0 : index
    %get3A_16 = vector.load %arg4[%get3A_14, %get3A_15] : memref<128x128xf32, #tpu.memory_space<vmem>>, vector<128x128xf32>
    %dot_general3A = arith.constant dense<0.000000e+00> : vector<10000x128xf32>
    %dot_general3A_17 = tpu.matmul %div3A_10, %get3A_16, %dot_general3A {dimension_numbers = #tpu.dot_dimension_numbers<[1], [1], [0], [0], [0, 0, 1, 0], [], []>, transpose_lhs_hint = false} : vector<10000x128xf32>, vector<128x128xf32>, vector<10000x128xf32> -> vector<10000x128xf32>
    %get3A_18 = arith.constant 0 : index
    %get3A_19 = arith.constant 0 : index
    %get3A_20 = vector.load %arg5[%get3A_18, %get3A_19] : memref<1x128xf32, #tpu.memory_space<vmem>>, vector<1x128xf32>
    %add3A = vector.broadcast %get3A_20 : vector<1x128xf32> to vector<10000x128xf32>
    %add3A_21 = arith.addf %dot_general3A_17, %add3A : vector<10000x128xf32>
    %get3A_22 = arith.constant 0 : index
    %get3A_23 = arith.constant 0 : index
    %get3A_24 = vector.load %arg6[%get3A_22, %get3A_23] : memref<128x128xf32, #tpu.memory_space<vmem>>, vector<128x128xf32>
    %dot_general3A_25 = arith.constant dense<0.000000e+00> : vector<10000x128xf32>
    %dot_general3A_26 = tpu.matmul %get3A_13, %get3A_24, %dot_general3A_25 {dimension_numbers = #tpu.dot_dimension_numbers<[1], [1], [0], [0], [0, 0, 1, 0], [], []>, transpose_lhs_hint = false} : vector<10000x128xf32>, vector<128x128xf32>, vector<10000x128xf32> -> vector<10000x128xf32>
    %add3A_27 = arith.addf %add3A_21, %dot_general3A_26 : vector<10000x128xf32>
    %reduce_sum3A = arith.constant dense<0.000000e+00> : vector<128xf32>
    %reduce_sum3A_28 = vector.multi_reduction <add>, %add3A_27, %reduce_sum3A [0] : vector<10000x128xf32> to vector<128xf32>
    %broadcast_in_dim3A = vector.shape_cast %reduce_sum3A_28 : vector<128xf32> to vector<1x128xf32>
    %div3A_29 = arith.constant 1.000000e+04 : f32
    %div3A_30 = vector.broadcast %div3A_29 : f32 to vector<1x128xf32>
    %div3A_31 = arith.divf %broadcast_in_dim3A, %div3A_30 : vector<1x128xf32>
    %sub3A = vector.broadcast %div3A_31 : vector<1x128xf32> to vector<10000x128xf32>
    %sub3A_32 = arith.subf %add3A_27, %sub3A : vector<10000x128xf32>
    %sub3A_33 = vector.broadcast %div3A_31 : vector<1x128xf32> to vector<10000x128xf32>
    %sub3A_34 = arith.subf %add3A_27, %sub3A_33 : vector<10000x128xf32>
    %mul3A = arith.mulf %sub3A_32, %sub3A_34 : vector<10000x128xf32>
    %reduce_sum3A_35 = arith.constant dense<0.000000e+00> : vector<128xf32>
    %reduce_sum3A_36 = vector.multi_reduction <add>, %mul3A, %reduce_sum3A_35 [0] : vector<10000x128xf32> to vector<128xf32>
    %broadcast_in_dim3A_37 = vector.shape_cast %reduce_sum3A_36 : vector<128xf32> to vector<1x128xf32>
    %div3A_38 = arith.constant 1.000000e+04 : f32
    %div3A_39 = vector.broadcast %div3A_38 : f32 to vector<1x128xf32>
    %div3A_40 = arith.divf %broadcast_in_dim3A_37, %div3A_39 : vector<1x128xf32>
    %sub3A_41 = vector.broadcast %div3A_31 : vector<1x128xf32> to vector<10000x128xf32>
    %sub3A_42 = arith.subf %add3A_27, %sub3A_41 : vector<10000x128xf32>
    %add3A_43 = arith.constant 9.99999974E-6 : f32
    %add3A_44 = vector.broadcast %add3A_43 : f32 to vector<1x128xf32>
    %add3A_45 = arith.addf %div3A_40, %add3A_44 : vector<1x128xf32>
    %rsqrt3A = math.rsqrt %add3A_45 : vector<1x128xf32>
    %mul3A_46 = vector.broadcast %rsqrt3A : vector<1x128xf32> to vector<10000x128xf32>
    %mul3A_47 = arith.mulf %sub3A_42, %mul3A_46 : vector<10000x128xf32>
    %get3A_48 = arith.constant 0 : index
    %get3A_49 = arith.constant 0 : index
    %get3A_50 = vector.load %arg7[%get3A_48, %get3A_49] : memref<1x128xf32, #tpu.memory_space<vmem>>, vector<1x128xf32>
    %mul3A_51 = vector.broadcast %get3A_50 : vector<1x128xf32> to vector<10000x128xf32>
    %mul3A_52 = arith.mulf %mul3A_47, %mul3A_51 : vector<10000x128xf32>
    %get3A_53 = arith.constant 0 : index
    %get3A_54 = arith.constant 0 : index
    %get3A_55 = vector.load %arg8[%get3A_53, %get3A_54] : memref<1x128xf32, #tpu.memory_space<vmem>>, vector<1x128xf32>
    %add3A_56 = vector.broadcast %get3A_55 : vector<1x128xf32> to vector<10000x128xf32>
    %add3A_57 = arith.addf %mul3A_52, %add3A_56 : vector<10000x128xf32>
    %max3A_58 = arith.constant 0.000000e+00 : f32
    %max3A_59 = vector.broadcast %max3A_58 : f32 to vector<10000x128xf32>
    %max3A_60 = arith.maximumf %add3A_57, %max3A_59 : vector<10000x128xf32>
    %slice3A_61 = vector.extract_strided_slice %max3A_60 {offsets = [0, 0], sizes = [10000, 64], strides = [1, 1]} : vector<10000x128xf32> to vector<10000x64xf32>
    %swap3A = arith.constant 0 : index
    %swap3A_62 = arith.constant 0 : index
    %swap3A_63 = vector.load %arg9[%swap3A, %swap3A_62] : memref<20000x64xf32, #tpu.memory_space<vmem>>, vector<10000x64xf32>
    tpu.vector_store %arg9[%swap3A, %swap3A_62], %slice3A_61 {strides = array<i32>} : memref<20000x64xf32, #tpu.memory_space<vmem>>, vector<10000x64xf32>,
    %slice3A_64 = vector.extract_strided_slice %max3A_60 {offsets = [0, 64], sizes = [10000, 64], strides = [1, 1]} : vector<10000x128xf32> to vector<10000x64xf32>
    %swap3A_65 = arith.constant 10000 : index
    %swap3A_66 = arith.constant 0 : index
    %swap3A_67 = vector.load %arg9[%swap3A_65, %swap3A_66] : memref<20000x64xf32, #tpu.memory_space<vmem>>, vector<10000x64xf32>
    tpu.vector_store %arg9[%swap3A_65, %swap3A_66], %slice3A_64 {strides = array<i32>} : memref<20000x64xf32, #tpu.memory_space<vmem>>, vector<10000x64xf32>,
    return
  }
}

module attributes {stable_mosaic.version = 14 : i64} {
  func.func @body(%arg0: memref<10000x64xf32, #tpu.memory_space<vmem>>, %arg1: memref<10000x64xf32, #tpu.memory_space<vmem>>, %arg2: memref<10000x16xf32, #tpu.memory_space<vmem>>, %arg3: memref<20000x64xf32, #tpu.memory_space<vmem>>, %arg4: memref<128x128xf32, #tpu.memory_space<vmem>>, %arg5: memref<1x128xf32, #tpu.memory_space<vmem>>, %arg6: memref<128x128xf32, #tpu.memory_space<vmem>>, %arg7: memref<1x128xf32, #tpu.memory_space<vmem>>, %arg8: memref<1x128xf32, #tpu.memory_space<vmem>>, %arg9: memref<10000x128xf32, #tpu.memory_space<vmem>>) attributes {dimension_semantics = [], scalar_prefetch = 0 : i64, scratch_operands = 0 : i64, tpu.core_type = #tpu.core_type<tc>} {
    %get3A = arith.constant 0 : index
    %get3A_0 = arith.constant 0 : index
    %get3A_1 = vector.load %arg0[%get3A, %get3A_0] : memref<10000x64xf32, #tpu.memory_space<vmem>>, vector<10000x64xf32>
    %get3A_2 = arith.constant 0 : index
    %get3A_3 = arith.constant 0 : index
    %get3A_4 = vector.load %arg1[%get3A_2, %get3A_3] : memref<10000x64xf32, #tpu.memory_space<vmem>>, vector<10000x64xf32>
    %concatenate3A = tpu.concatenate %get3A_1, %get3A_4 in 1 : vector<10000x64xf32>, vector<10000x64xf32> -> vector<10000x128xf32>
    %get3A_5 = arith.constant 0 : index
    %get3A_6 = arith.constant 0 : index
    %get3A_7 = vector.load %arg2[%get3A_5, %get3A_6] : memref<10000x16xf32, #tpu.memory_space<vmem>>, vector<10000x16xf32>
    %slice3A = vector.extract_strided_slice %get3A_7 {offsets = [0, 0], sizes = [10000, 1], strides = [1, 1]} : vector<10000x16xf32> to vector<10000x1xf32>
    %max3A = arith.constant 1.000000e+00 : f32
    %max3A_8 = vector.broadcast %max3A : f32 to vector<10000x1xf32>
    %max3A_9 = arith.maximumf %slice3A, %max3A_8 : vector<10000x1xf32>
    %div3A = vector.broadcast %max3A_9 : vector<10000x1xf32> to vector<10000x128xf32>
    %div3A_10 = arith.divf %concatenate3A, %div3A : vector<10000x128xf32>
    %get3A_11 = arith.constant 0 : index
    %get3A_12 = arith.constant 0 : index
    %get3A_13 = vector.load %arg3[%get3A_11, %get3A_12] : memref<20000x64xf32, #tpu.memory_space<vmem>>, vector<20000x64xf32>
    %slice3A_14 = vector.extract_strided_slice %get3A_13 {offsets = [0, 0], sizes = [10000, 64], strides = [1, 1]} : vector<20000x64xf32> to vector<10000x64xf32>
    %slice3A_15 = vector.extract_strided_slice %get3A_13 {offsets = [10000, 0], sizes = [10000, 64], strides = [1, 1]} : vector<20000x64xf32> to vector<10000x64xf32>
    %concatenate3A_16 = tpu.concatenate %slice3A_14, %slice3A_15 in 1 : vector<10000x64xf32>, vector<10000x64xf32> -> vector<10000x128xf32>
    %get3A_17 = arith.constant 0 : index
    %get3A_18 = arith.constant 0 : index
    %get3A_19 = vector.load %arg4[%get3A_17, %get3A_18] : memref<128x128xf32, #tpu.memory_space<vmem>>, vector<128x128xf32>
    %dot_general3A = arith.constant dense<0.000000e+00> : vector<10000x128xf32>
    %dot_general3A_20 = tpu.matmul %div3A_10, %get3A_19, %dot_general3A {dimension_numbers = #tpu.dot_dimension_numbers<[1], [1], [0], [0], [0, 0, 1, 0], [], []>, transpose_lhs_hint = false} : vector<10000x128xf32>, vector<128x128xf32>, vector<10000x128xf32> -> vector<10000x128xf32>
    %get3A_21 = arith.constant 0 : index
    %get3A_22 = arith.constant 0 : index
    %get3A_23 = vector.load %arg5[%get3A_21, %get3A_22] : memref<1x128xf32, #tpu.memory_space<vmem>>, vector<1x128xf32>
    %add3A = vector.broadcast %get3A_23 : vector<1x128xf32> to vector<10000x128xf32>
    %add3A_24 = arith.addf %dot_general3A_20, %add3A : vector<10000x128xf32>
    %get3A_25 = arith.constant 0 : index
    %get3A_26 = arith.constant 0 : index
    %get3A_27 = vector.load %arg6[%get3A_25, %get3A_26] : memref<128x128xf32, #tpu.memory_space<vmem>>, vector<128x128xf32>
    %dot_general3A_28 = arith.constant dense<0.000000e+00> : vector<10000x128xf32>
    %dot_general3A_29 = tpu.matmul %concatenate3A_16, %get3A_27, %dot_general3A_28 {dimension_numbers = #tpu.dot_dimension_numbers<[1], [1], [0], [0], [0, 0, 1, 0], [], []>, transpose_lhs_hint = false} : vector<10000x128xf32>, vector<128x128xf32>, vector<10000x128xf32> -> vector<10000x128xf32>
    %add3A_30 = arith.addf %add3A_24, %dot_general3A_29 : vector<10000x128xf32>
    %reduce_sum3A = arith.constant dense<0.000000e+00> : vector<128xf32>
    %reduce_sum3A_31 = vector.multi_reduction <add>, %add3A_30, %reduce_sum3A [0] : vector<10000x128xf32> to vector<128xf32>
    %broadcast_in_dim3A = vector.shape_cast %reduce_sum3A_31 : vector<128xf32> to vector<1x128xf32>
    %div3A_32 = arith.constant 1.000000e+04 : f32
    %div3A_33 = vector.broadcast %div3A_32 : f32 to vector<1x128xf32>
    %div3A_34 = arith.divf %broadcast_in_dim3A, %div3A_33 : vector<1x128xf32>
    %sub3A = vector.broadcast %div3A_34 : vector<1x128xf32> to vector<10000x128xf32>
    %sub3A_35 = arith.subf %add3A_30, %sub3A : vector<10000x128xf32>
    %sub3A_36 = vector.broadcast %div3A_34 : vector<1x128xf32> to vector<10000x128xf32>
    %sub3A_37 = arith.subf %add3A_30, %sub3A_36 : vector<10000x128xf32>
    %mul3A = arith.mulf %sub3A_35, %sub3A_37 : vector<10000x128xf32>
    %reduce_sum3A_38 = arith.constant dense<0.000000e+00> : vector<128xf32>
    %reduce_sum3A_39 = vector.multi_reduction <add>, %mul3A, %reduce_sum3A_38 [0] : vector<10000x128xf32> to vector<128xf32>
    %broadcast_in_dim3A_40 = vector.shape_cast %reduce_sum3A_39 : vector<128xf32> to vector<1x128xf32>
    %div3A_41 = arith.constant 1.000000e+04 : f32
    %div3A_42 = vector.broadcast %div3A_41 : f32 to vector<1x128xf32>
    %div3A_43 = arith.divf %broadcast_in_dim3A_40, %div3A_42 : vector<1x128xf32>
    %sub3A_44 = vector.broadcast %div3A_34 : vector<1x128xf32> to vector<10000x128xf32>
    %sub3A_45 = arith.subf %add3A_30, %sub3A_44 : vector<10000x128xf32>
    %add3A_46 = arith.constant 9.99999974E-6 : f32
    %add3A_47 = vector.broadcast %add3A_46 : f32 to vector<1x128xf32>
    %add3A_48 = arith.addf %div3A_43, %add3A_47 : vector<1x128xf32>
    %rsqrt3A = math.rsqrt %add3A_48 : vector<1x128xf32>
    %mul3A_49 = vector.broadcast %rsqrt3A : vector<1x128xf32> to vector<10000x128xf32>
    %mul3A_50 = arith.mulf %sub3A_45, %mul3A_49 : vector<10000x128xf32>
    %get3A_51 = arith.constant 0 : index
    %get3A_52 = arith.constant 0 : index
    %get3A_53 = vector.load %arg7[%get3A_51, %get3A_52] : memref<1x128xf32, #tpu.memory_space<vmem>>, vector<1x128xf32>
    %mul3A_54 = vector.broadcast %get3A_53 : vector<1x128xf32> to vector<10000x128xf32>
    %mul3A_55 = arith.mulf %mul3A_50, %mul3A_54 : vector<10000x128xf32>
    %get3A_56 = arith.constant 0 : index
    %get3A_57 = arith.constant 0 : index
    %get3A_58 = vector.load %arg8[%get3A_56, %get3A_57] : memref<1x128xf32, #tpu.memory_space<vmem>>, vector<1x128xf32>
    %add3A_59 = vector.broadcast %get3A_58 : vector<1x128xf32> to vector<10000x128xf32>
    %add3A_60 = arith.addf %mul3A_55, %add3A_59 : vector<10000x128xf32>
    %swap3A = arith.constant 0 : index
    %swap3A_61 = arith.constant 0 : index
    %swap3A_62 = vector.load %arg9[%swap3A, %swap3A_61] : memref<10000x128xf32, #tpu.memory_space<vmem>>, vector<10000x128xf32>
    tpu.vector_store %arg9[%swap3A, %swap3A_61], %add3A_60 {strides = array<i32>} : memref<10000x128xf32, #tpu.memory_space<vmem>>, vector<10000x128xf32>,
    return
  }
}

</mosaic_0001>

<sc_bundles>
// kernel: kernel.6.cloned.1.call-start
scs
__scs_entry_jumppad:
0x0: {  	(pc) =	sbr.rel $0x88, $3  }
0x1: {  	(tag) =	ssettag $0x0;
	lr =	simm.s32 $0x1  }
0x2: {  	[smem:$0x3F95] =	sst lr;
	_ =	strace $0xD0000000  }
0x3: {  	_ = 	snop  }
0x4: {  	_ = 	snop  }
0x5: {  	_ = 	snop  }
0x6: {  	_ = 	snop  }
0x7: {  	_ = 	snop  }
__scs_overlays_trampoline_lowered:
0x8: {  	[smem:$0x3FA4] =	sst s0  }
0x9: {  	[smem:$0x3FA5] =	sst s1  }
0xa: {  	[smem:$0x3FA6] =	sst s2  }
0xb: {  	[smem:$0x3FA7] =	sst s3  }
0xc: {  	[smem:$0x3FA8] =	sst s4  }
0xd: {  	[smem:$0x3FA9] =	sst s5  }
0xe: {  	[smem:$0x3FAA] =	sst s6  }
0xf: {  	[smem:$0x3FAB] =	sst s7  }
0x10: {  	[smem:$0x3FAC] =	sst s8  }
0x11: {  	[smem:$0x3FAD] =	sst s9;
	s0 =	simm.s32 @!p0 $0x0  }
0x12: {  	s1 =	sld [smem:$0x3F93];
	s0 =	simm.s32 @p0 $0x1  }
0x13: {  	[smem:$0x3FAE] =	sst s0;
	s0 =	simm.s32 @!p1 $0x0  }
0x14: {  	s2 =	sld [smem:$0x3F92];
	s0 =	simm.s32 @p1 $0x1  }
0x15: {  	[smem:$0x3FAF] =	sst s0;
	s0 =	simm.s32 @!p2 $0x0  }
0x16: {  	s3 =	sld [smem:$0x3FDB];
	s0 =	simm.s32 @p2 $0x1  }
0x17: {  	s4 =	simm.s32 $0x1BF5;
	[smem:$0x3FB1] =	sst s0  }
0x18: {  	s0 =	sld [smem:$0x3F94];
	_ =	swait.ge [sflag:s4], $0x0  }
0x19: {  	s7 =	sld [smem:$0x3F95]  }
0x1a: {  	s8 =	sadd.s32 $0xFFFFE003, lr  }
0x1b: {  	s9 =	sadd.s32 $0xFFFFFEF7, lr;
	s5 =	simm.s32 $0xFFFFFFFF;
	p2 =	slt.u32 s8, $0xFFFFF086  }
0x1c: {  	p1 =	slt.u32 s9, $0xF7A;
	s5 =	simm.s32 @!p2 $0x0  }
0x1d: {  	s5 =	simm.s32 @p1 $0x1;
	p0 =	seq.s32 s7, s2  }
0x1e: {  	s7 =	smul.u32 @!p0 $0xF7A, s2;
	p2 =	seq.s32 @!p0 s5, $0x0  }
0x1f: {  	s9 =	smul.u32 $0xF7A, s1;
	s8 =	simm.s32 @!p0 $0x1BF5;
	p2 =	por !p2, p0  }
0x20: {  	[sflag:s8] =	ssyncset.s32 @!p0 $0xFFFFF086;
	s6 =	sadd.s32 @!p0 s3, s7;
	s7 =	simm.s32 @!p0 $0x108  }
0x21: {  	s3 =	sadd.s32 s3, s9;
	s6 =	sadd.s32 @!p0 $0x88, s6;
	s7 =	simm.s32 @p2 $0x1082  }
0x22: {  	[simem:s7], [sflag:s8] =	dma.local @!p0 [hbm:s6], $0xF7A  }
0x23: {  	s9 =	sor.u32 $0xD0000000, s2;
	s6 =	simm.s32 $0x108;
	_ =	swait.ge @!p0 [sflag:s8], $0x0  }
0x24: {  	s3 =	sadd.s32 $0x88, s3;
	s6 =	simm.s32 @!p1 $0x1082;
	[sflag:s4] =	ssyncset.s32 $0xFFFFF086  }
0x25: {  	[simem:s6], [sflag:s4] =	dma.local [hbm:s3], $0xF7A  }
0x26: {  	[smem:$0x3F95] =	sst s1;
	(tag) =	ssettag s2;
	_ =	strace s9  }
0x27: {  	s1 =	sld [smem:$0x3FA5]  }
0x28: {  	s2 =	sld [smem:$0x3FA6]  }
0x29: {  	s4 =	sld [smem:$0x3FA8]  }
0x2a: {  	p0 =	seq.s32 s5, $0x0;
	s5 =	sld [smem:$0x3FA9]  }
0x2b: {  	s6 =	sld [smem:$0x3FAA]  }
0x2c: {  	s7 =	sld [smem:$0x3FAB]  }
0x2d: {  	s3 =	simm.s32 $0x108;
	s8 =	sld [smem:$0x3FAC]  }
0x2e: {  	s3 =	simm.s32 @!p0 $0x1082;
	s9 =	sld [smem:$0x3FAD]  }
0x2f: {  	lr =	sadd.s32 s0, s3;
	s0 =	sld [smem:$0x3FA4]  }
0x30: {  	s3 =	sld [smem:$0x3FA7]  }
0x31: {  	[smem:$0x3FB0] =	sst s10  }
0x32: {  	s10 =	sld [smem:$0x3FAE];
	_ =	sdelay $0x3  }
0x33: {  	p0 =	seq.s32 s10, $0x1;
	s10 =	sld [smem:$0x3FB0];
	_ =	sdelay $0x3  }
0x34: {  	[smem:$0x3FB0] =	sst s10  }
0x35: {  	s10 =	sld [smem:$0x3FAF];
	_ =	sdelay $0x3  }
0x36: {  	p1 =	seq.s32 s10, $0x1;
	s10 =	sld [smem:$0x3FB0];
	_ =	sdelay $0x3  }
0x37: {  	[smem:$0x3FB0] =	sst s10  }
0x38: {  	s10 =	sld [smem:$0x3FB1]  }
0x39: {  	_ = 	snop;
	(pc) =	sbr.ind lr, $3  }
0x3a: {  	_ = 	snop  }
0x3b: {  	_ = 	snop  }
0x3c: {  	p2 =	seq.s32 s10, $0x1;
	s10 =	sld [smem:$0x3FB0]  }
0x3d: {  	_ =	shalt  }
0x3e: {  	_ =	shalt  }
0x3f: {  	_ =	shalt  }
0x40: {  	_ =	shalt  }
0x41: {  	_ =	shalt  }
0x42: {  	_ =	shalt  }
0x43: {  	_ =	shalt  }
0x44: {  	_ =	shalt  }
0x45: {  	_ =	shalt  }
0x46: {  	_ =	shalt  }
0x47: {  	_ =	shalt  }
0x48: {  	_ =	shalt  }
0x49: {  	_ =	shalt  }
0x4a: {  	_ =	shalt  }
0x4b: {  	_ =	shalt  }
0x4c: {  	_ =	shalt  }
0x4d: {  	_ =	shalt  }
0x4e: {  	_ =	shalt  }
0x4f: {  	_ =	shalt  }
0x50: {  	_ =	shalt  }
0x51: {  	_ =	shalt  }
0x52: {  	_ =	shalt  }
0x53: {  	_ =	shalt  }
0x54: {  	_ =	shalt  }
0x55: {  	_ =	shalt  }
0x56: {  	_ =	shalt  }
0x57: {  	_ =	shalt  }
0x58: {  	_ =	shalt  }
0x59: {  	_ =	shalt  }
0x5a: {  	_ =	shalt  }
0x5b: {  	_ =	shalt  }
0x5c: {  	_ =	shalt  }
0x5d: {  	_ =	shalt  }
0x5e: {  	_ =	shalt  }
0x5f: {  	_ =	shalt  }
0x60: {  	_ =	shalt  }
0x61: {  	_ =	shalt  }
0x62: {  	_ =	shalt  }
0x63: {  	_ =	shalt  }
0x64: {  	_ =	shalt  }
0x65: {  	_ =	shalt  }
0x66: {  	_ =	shalt  }
0x67: {  	_ =	shalt  }
0x68: {  	_ =	shalt  }
0x69: {  	_ =	shalt  }
0x6a: {  	_ =	shalt  }
0x6b: {  	_ =	shalt  }
0x6c: {  	_ =	shalt  }
0x6d: {  	_ =	shalt  }
0x6e: {  	_ =	shalt  }
0x6f: {  	_ =	shalt  }
0x70: {  	_ =	shalt  }
0x71: {  	_ =	shalt  }
0x72: {  	_ =	shalt  }
0x73: {  	_ =	shalt  }
0x74: {  	_ =	shalt  }
0x75: {  	_ =	shalt  }
0x76: {  	_ =	shalt  }
0x77: {  	_ =	shalt  }
0x78: {  	_ =	shalt  }
0x79: {  	_ =	shalt  }
0x7a: {  	_ =	shalt  }
0x7b: {  	_ =	shalt  }
0x7c: {  	_ =	shalt  }
0x7d: {  	_ =	shalt  }
0x7e: {  	_ =	shalt  }
0x7f: {  	_ =	shalt  }
0x80: {  	_ =	shalt  }
0x81: {  	_ =	shalt  }
0x82: {  	_ =	shalt  }
0x83: {  	_ =	shalt  }
0x84: {  	_ =	shalt  }
0x85: {  	_ =	shalt  }
0x86: {  	_ =	shalt  }
0x87: {  	_ =	shalt  }
.Lfunc_end0:
.L_simem_size_0:
called_computation_lowered:
.L_overlay_start_0:
0x88: {  	s2 =	sld [smem:$0x3FD9]  }
0x89: {  	s3 =	sld [smem:$0x3FFE];
	_ =	sdelay $0x1  }
0x8a: {  	s1 =	srdreg.scid  }
0x8b: {  	s0 =	sand.u32 $0x1, s1  }
0x8c: {  	s17 =	sshll.u32 s0, $0xA;
	s2 =	sadd.s32 s3, s2  }
0x8d: {  	s2 =	sadd.s32 s2, s17  }
0x8e: {  	[smem:$0x3FBC] =	sst s2  }
0x8f: {  	_ = 	snop  }
0x90: {  	s2 =	sld [smem:$0x3FD0];
	(tm) =	ssettm $0x1  }
0x91: {  	s18 =	sld [smem:$0x3FFB];
	_ =	sdelay $0x3  }
0x92: {  	_ =	strace s18  }
0x93: {  	s3 =	sld [smem:$0x3FFC];
	_ =	sdelay $0x3  }
0x94: {  	_ =	strace s3  }
0x95: {  	s3 =	sld [smem:$0x3FFD];
	_ =	sdelay $0x3  }
0x96: {  	_ =	strace s3  }
0x97: {  	_ =	strace $0x8FFFFFFF  }
0x98: {  	s19 =	sld [smem:$0x3FDB];
	_ =	sdelay $0x1  }
0x99: {  	s4 =	simm.s32 $_scs_section_size  }
0x9a: {  	s5 =	simm.s32 $_size__tile_overlayer_lowered;
	s6 =	simm.s32 $_tile_overlayer_lowered  }
0x9b: {  	s22 =	simm.s32 $0x1BFF;
	s21 =	sshll.u32 s6, $0x1;
	s3 =	sadd.s32 s4, s19  }
0x9c: {  	s7 =	simm.s32 $0x0;
	s20 =	sshll.u32 s5, $0x1;
	s5 =	sadd.s32 s21, s3  }
0x9d: {  	[timem:s7], [sflag:s22] =	dma.local [hbm:s5], s20  }
0x9e: {  	_ =	swait.ge [sflag:s22], s20  }
0x9f: {  	s4 =	ssub.s32 $0x0, s20;
	[sflag:s22] =	ssyncset.done $0x0  }
0xa0: {  	[sflag:s22] =	ssyncadd.s32 s4;
	_ =	sdelay $0x1  }
0xa1: {  	s23 =	simm.s32 $0x1B8B  }
0xa2: {  	_ =	swait.ge [sflag:s23], $0x1  }
0xa3: {  	[sflag:s23] =	ssyncset.done $0x0  }
0xa4: {  	s25 =	simm.s32 $0x1B8E;
	s24 =	sld [smem:$0x3FFE];
	[sflag:s23] =	ssyncadd.s32 $0xFFFFFFFF  }
0xa5: {  	s26 =	simm.s32 $execute0_lowered;
	[smem:$0x3FD2] =	sst s25  }
0xa6: {  	s5 =	sshll.u32 s26, $0x1;
	_ =	strace $0x80000046;
	[dreg:$0x1] =	wrdreg $0xFFFFFFFF  }
0xa7: {  	s28 =	simm.s32 $_size_execute0_lowered;
	s3 =	sadd.s32 s3, s5;
	[dreg:$0x0] =	wrdreg $0x0  }
0xa8: {  	s5 =	sshll.u32 s28, $0x1;
	[dreg:$0x2] =	wrdreg s3  }
0xa9: {  	[dreg:$0x3] =	wrdreg s5  }
0xaa: {  	[dreg:$0x4] =	wrdreg $0xC0  }
0xab: {  	_ =	task [dreg:s7], $0x5FFFF  }
0xac: {  	[dreg:$0x1] =	wrdreg $0xFFFFFFFF  }
0xad: {  	[dreg:$0x0] =	wrdreg $0x60  }
0xae: {  	[dreg:$0x2] =	wrdreg s2  }
0xaf: {  	[dreg:$0x3] =	wrdreg s24  }
0xb0: {  	[dreg:$0x4] =	wrdreg $0xCD000  }
0xb1: {  	[dreg:$0x5] =	wrdreg $0x16B000  }
0xb2: {  	[dreg:$0x6] =	wrdreg $0x9  }
0xb3: {  	_ =	task.clear_ibuf [dreg:s7], $0x7FFFF;
	_ =	strace $0x90000046  }
0xb4: {  	s29 =	simm.s32 $0x9;
	_ =	strace $0x80000048  }
0xb5: {  	_ =	swait.ge [sflag:s29], $0x1  }
0xb6: {  	[sflag:s29] =	ssyncadd.s32 $0xFFFFFFFF  }
0xb7: {  	_ =	strace $0x90000048  }
0xb8: {  	_ =	sfence  }
0xb9: {  	s30 =	sld [smem:$0x0];
	_ =	sdelay $0x2  }
0xba: {  	s31 =	sshll.u32 s1, $0xD;
	s1 =	sshrl.u32 s1, $0x2  }
0xbb: {  	s3 =	sand.u32 $0x4000, s31;
	s1 =	sadd.s32 s1, s30  }
0xbc: {  	s0 =	sor.u32 s3, s0;
	s1 =	sshll.u32 s1, $0x11  }
0xbd: {  	s0 =	sor.u32 s1, s0  }
0xbe: {  	s0 =	sadd.s32 $0x8F2B, s0  }
0xbf: {  	[sflag:s0] =	ssyncadd.remote.s32 $0x1  }
0xc0: {  	_ =	sfence.sel $0xFFFF  }
0xc1: {  	[dreg:$0x0] =	wrdreg $0xFFFFFFFF;
	(pc) =	sbr.abs _section_cstart, $3  }
0xc2: {  	[dreg:$0x1] =	wrdreg $0xFFFFFFFF  }
0xc3: {  	_ =	task.clear_ibuf [dreg:s7], $0x2FFFF;
	_ =	strace $0x9FFFFFFF  }
0xc4: {  	(tm) =	ssettm $0x7FFFFFFF  }
0xc5: {  	_ =	shalt  }
tec
execute0_lowered:
.L_overlay_start_1:
0x0: {  	(tag) =	ssettag $0x1  }
0x1: {  	s0 =	rddreg [dreg:$0x0]  }
0x2: {  	s1 =	rddreg [dreg:$0x1]  }
0x3: {  	s3 =	rddreg [dreg:$0x2]  }
0x4: {  	s2 =	srdreg.scid;
	s5 =	stileid.u32  }
0x5: {  	s4 =	rddreg [dreg:$0x3];
	s15 =	smul.u32 $0x278, s5  }
0x6: {  	s8 =	simm.s32 $0x0;
	s21 =	simm.s32 $0x2;
	s23 =	smul.u32 $0x9D0, s5  }
0x7: {  	s28 =	simm.s32 $0x3;
	s29 =	simm.s32 $0x0;
	s9 =	smul.u32 $0x2780, s5  }
0x8: {  	s2 =	sand.u32 $0x1, s2;
	[smem:$0x7FF] =	sst s8;
	s12 =	smul.u32 $0x27800, s5  }
0x9: {  	s6 =	sshll.u32 s2, $0x4;
	s7 =	smul.u32 $0x2780, s2;
	_ =	strace $0x80000047  }
0xa: {  	s24 =	ssub.s32 $0x2, s2;
	p0 =	sne.s32 s2, $0x0;
	s6 =	sor.u32 s5, s6  }
0xb: {  	s8 =	sadd.s32 s23, s1;
	s10 =	sshrl.u32 s9, $0x3;
	s11 =	sshrl.u32 s24, $0x1  }
0xc: {  	s25 =	sshrl.u32 s12, $0x2;
	s26 =	sadd.s32 $0x80, s15;
	s9 =	sadd.s32 s9, s4  }
0xd: {  	s13 =	sadd.s32 $0x100, s15;
	s16 =	sadd.s32 $0x180, s15;
	s23 =	simm.s32 $0x9D00  }
0xe: {  	s6 =	smul.u32 $0x9D0, s6;
	s7 =	sadd.s32 s15, s7;
	s20 =	ssub.s32 s24, s11  }
0xf: {  	s30 =	sshll.u32 s26, $0x6;
	s11 =	sshll.u32 s26, $0x4;
	s31 =	sshll.u32 s13, $0x6  }
0x10: {  	s13 =	sshll.u32 s13, $0x4;
	s14 =	sshll.u32 s16, $0x6;
	s15 =	sadd.s32 $0x200, s15  }
0x11: {  	s16 =	sshll.u32 s16, $0x4;
	s24 =	simm.s32 $0xBD00;
	s26 =	simm.s32 $0x1  }
0x12: {  	s7 =	sshll.u32 s7, $0x3;
	s11 =	sadd.s32 s11, s4;
	s12 =	sadd.s32 s31, s3  }
0x13: {  	s13 =	sadd.s32 s13, s4;
	s14 =	sadd.s32 s14, s3;
	s17 =	sshll.u32 s15, $0x6  }
0x14: {  	s19 =	sshll.u32 s15, $0x4;
	s15 =	sadd.s32 s16, s4;
	s20 =	smax.u32 s20, $0x1  }
0x15: {  	s6 =	sadd.s32 s6, s1;
	s18 =	sadd.s32 s7, s1;
	s1 =	sadd.s32 s10, s1  }
0x16: {  	s7 =	sadd.s32 $0x16400, s8;
	s8 =	sadd.s32 s25, s3;
	s10 =	sadd.s32 s30, s3  }
0x17: {  	v0 =	vimm.f32 $0.0e+00;
	vm0 =	vcmask $0x300;
	s16 =	sadd.s32 s17, s3;
	s17 =	sadd.s32 s19, s4;
	s25 =	simm.s32 $0x80  }
0x18: {  	v1 =	vsel vm0, $0x3F800000, v0;
	s6 =	sadd.s32 $0x2A00, s6;
	s18 =	sadd.s32 $0x25200, s18;
	s19 =	sadd.s32 $0x20200, s1  }
.LBB2_1:
0x19: {  	s1 =	simm.s32 $0x0  }
0x1a: {  	[tilespmem:s1], [sflag:$0x2] =	stream.linear.gather [hbm4b:s6+s1], $0x4E80, $0x38;
	[tilespmem:$0x19280] =	vst v63  }
0x1b: {  	_ =	swait.ge [sflag:s21], $0x4E80  }
0x1c: {  	[sflag:s21] =	ssyncset.done $0x0  }
0x1d: {  	s2 =	simm.s32 $0x4E80;
	[sflag:s21] =	ssyncadd.s32 $0xFFFFB180  }
0x1e: {  	[tilespmem:s2], [sflag:$0x2] =	stream.linear.gather [hbm4b:s7+s1], $0x4E80, $0x38;
	[tilespmem:$0x19280] =	vst v63  }
0x1f: {  	_ =	swait.ge [sflag:s21], $0x4E80  }
0x20: {  	[sflag:s21] =	ssyncset.done $0x0  }
0x21: {  	s1 =	simm.s32 $0x9D20;
	[sflag:s21] =	ssyncadd.s32 $0xFFFFB180  }
0x22: {  	[tilespmem:s1+$0xFFFFFFE0] =	vst v0  }
0x23: {  	[tilespmem:s1+$0x10] =	vst v0  }
0x24: {  	[tilespmem:s1+$0x0] =	vst v0  }
0x25: {  	s22 =	simm.s32 $0x0;
	s2 =	simm.s32 $0x40;
	[tilespmem:s1+$0xFFFFFFF0] =	vst v0  }
.LBB2_2:
0x26: {  	p1 =	sne.s32 s2, $0x1FC0  }
0x27: {  	[tilespmem:s22+$0xBD00] =	vst v0;
	s1 =	sadd.s32 $0x40, s1;
	s30 =	smov.u32 s2;
	s2 =	sadd.s32 $0x40, s2  }
.Ltmp0:
0x28: {  	[tilespmem:s22+$0xC500] =	vst v1;
	(pc) =	sbr.rel @p1 .LBB2_2-.Ltmp0, $4  }
0x29: {  	[tilespmem:s1+$0xFFFFFFE0] =	vst v0  }
0x2a: {  	[tilespmem:s1+$0x10] =	vst v0  }
0x2b: {  	[tilespmem:s1+$0x0] =	vst v0  }
0x2c: {  	s22 =	sshra.s32 s30, $0x2;
	[tilespmem:s1+$0xFFFFFFF0] =	vst v0  }
0x2d: {  	[tilespmem:s22+$0xBD00] =	vst v0  }
0x2e: {  	[tilespmem:s22+$0xC500] =	vst v1  }
0x2f: {  	[spmem:s8] =	stream.linear.scatter [tilespmem:s23], [sflag:$0x2], $0x2000, $0x38;
	[tilespmem:$0x19280] =	vst v63  }
0x30: {  	_ =	swait.ge [sflag:s21], $0x2000  }
0x31: {  	[sflag:s21] =	ssyncset.done $0x0  }
0x32: {  	[sflag:s21] =	ssyncadd.s32 $0xFFFFE000  }
0x33: {  	[spmem:s9] =	stream.linear.scatter [tilespmem:s24], [sflag:$0x2], $0x800, $0x38;
	[tilespmem:$0x19280] =	vst v63  }
0x34: {  	_ =	swait.ge [sflag:s21], $0x800  }
0x35: {  	[sflag:s21] =	ssyncset.done $0x0  }
0x36: {  	[sflag:s21] =	ssyncadd.s32 $0xFFFFF800  }
0x37: {  	[spmem:s10] =	stream.linear.scatter [tilespmem:s23], [sflag:$0x2], $0x2000, $0x38;
	[tilespmem:$0x19280] =	vst v63  }
0x38: {  	_ =	swait.ge [sflag:s21], $0x2000  }
0x39: {  	[sflag:s21] =	ssyncset.done $0x0  }
0x3a: {  	[sflag:s21] =	ssyncadd.s32 $0xFFFFE000  }
0x3b: {  	[spmem:s11] =	stream.linear.scatter [tilespmem:s24], [sflag:$0x2], $0x800, $0x38;
	[tilespmem:$0x19280] =	vst v63  }
0x3c: {  	_ =	swait.ge [sflag:s21], $0x800  }
0x3d: {  	[sflag:s21] =	ssyncset.done $0x0  }
0x3e: {  	[sflag:s21] =	ssyncadd.s32 $0xFFFFF800  }
0x3f: {  	[spmem:s12] =	stream.linear.scatter [tilespmem:s23], [sflag:$0x2], $0x2000, $0x38;
	[tilespmem:$0x19280] =	vst v63  }
0x40: {  	_ =	swait.ge [sflag:s21], $0x2000  }
0x41: {  	[sflag:s21] =	ssyncset.done $0x0  }
0x42: {  	[sflag:s21] =	ssyncadd.s32 $0xFFFFE000  }
0x43: {  	[spmem:s13] =	stream.linear.scatter [tilespmem:s24], [sflag:$0x2], $0x800, $0x38;
	[tilespmem:$0x19280] =	vst v63  }
0x44: {  	_ =	swait.ge [sflag:s21], $0x800  }
0x45: {  	[sflag:s21] =	ssyncset.done $0x0  }
0x46: {  	[sflag:s21] =	ssyncadd.s32 $0xFFFFF800  }
0x47: {  	[spmem:s14] =	stream.linear.scatter [tilespmem:s23], [sflag:$0x2], $0x2000, $0x38;
	[tilespmem:$0x19280] =	vst v63  }
0x48: {  	_ =	swait.ge [sflag:s21], $0x2000  }
0x49: {  	[sflag:s21] =	ssyncset.done $0x0  }
0x4a: {  	[sflag:s21] =	ssyncadd.s32 $0xFFFFE000  }
0x4b: {  	[spmem:s15] =	stream.linear.scatter [tilespmem:s24], [sflag:$0x2], $0x800, $0x38;
	[tilespmem:$0x19280] =	vst v63  }
0x4c: {  	_ =	swait.ge [sflag:s21], $0x800  }
0x4d: {  	[sflag:s21] =	ssyncset.done $0x0  }
0x4e: {  	[sflag:s21] =	ssyncadd.s32 $0xFFFFF800  }
0x4f: {  	[spmem:s16] =	stream.linear.scatter [tilespmem:s23], [sflag:$0x2], $0x1E00, $0x38;
	[tilespmem:$0x19280] =	vst v63  }
0x50: {  	_ =	swait.ge [sflag:s21], $0x1E00  }
0x51: {  	[sflag:s21] =	ssyncset.done $0x0  }
0x52: {  	[sflag:s21] =	ssyncadd.s32 $0xFFFFE200  }
0x53: {  	[spmem:s17] =	stream.linear.scatter [tilespmem:s24], [sflag:$0x2], $0x780, $0x38;
	[tilespmem:$0x19280] =	vst v63  }
0x54: {  	_ =	swait.ge [sflag:s21], $0x780  }
0x55: {  	[sflag:s21] =	ssyncset.done $0x0  }
0x56: {  	[sflag:s21] =	ssyncadd.s32 $0xFFFFF880  }
0x57: {  	s1 =	simm.s32 $0x0;
	[bflag:$0x0] =	sbarrier.arrive $0xFFFF  }
0x58: {  	[tilespmem:s23], [sflag:$0x1] =	stream.indirect.gather [hbm4b:s0+s25], $0x40, s1, s25, $0xb8;
	[tilespmem:$0x19280] =	vst v63  }
0x59: {  	_ =	swait.ge [sflag:s26], $0x2000  }
0x5a: {  	[sflag:s26] =	ssyncset.done $0x0  }
0x5b: {  	s2 =	simm.s32 $0x4E80;
	[sflag:s26] =	ssyncadd.s32 $0xFFFFE000  }
0x5c: {  	[spmem:s3] =	stream.indirect.scatter.add.f32 [tilespmem:s23], [sflag:$0x3], $0x40, s2, s25, $0xb8;
	[tilespmem:$0x19280] =	vst v63  }
0x5d: {  	_ =	swait.ge [sflag:s28], $0x2000  }
0x5e: {  	s30 =	simm.s32 @!p0 $0x2;
	[sflag:s28] =	ssyncset.done $0x0  }
0x5f: {  	s31 =	simm.s32 @!p0 $0x80;
	s1 =	simm.s32 @!p0 $0xC500;
	[sflag:s28] =	ssyncadd.s32 $0xFFFFE000  }
0x60: {  	[spmem:s4] =	stream.indirect.scatter.add.f32 @!p0 [tilespmem:s1], [sflag:$0x2], $0x10, s2, s31, $0xb8;
	[tilespmem:$0x19280] =	vst v63  }
0x61: {  	_ =	swait.ge @!p0 [sflag:s30], $0x800  }
0x62: {  	s22 =	simm.s32 $0x400;
	s2 =	simm.s32 $0x200;
	[sflag:s30] =	ssyncset.done @!p0 $0x0  }
.LBB2_4:
0x63: {  	s5 =	sshra.s32 s2, $0x2  }
0x64: {  	[sflag:s30] =	ssyncadd.s32 @!p0 $0xFFFFF800;
	s2 =	smov.u32 s22;
	s22 =	sadd.s32 $0x200, s22  }
0x65: {  	[tilespmem:s23], [sflag:$0x1] =	stream.indirect.gather [hbm4b:s0+s25], $0x40, s5, s25, $0xb8;
	[tilespmem:$0x19280] =	vst v63  }
0x66: {  	p1 =	sne.s32 s22, $0x13A00;
	_ =	swait.ge [sflag:s26], $0x2000  }
0x67: {  	[sflag:s26] =	ssyncset.done $0x0  }
0x68: {  	s5 =	sadd.s32 $0x4E80, s5;
	[sflag:s26] =	ssyncadd.s32 $0xFFFFE000  }
0x69: {  	[spmem:s3] =	stream.indirect.scatter.add.f32 [tilespmem:s23], [sflag:$0x3], $0x40, s5, s25, $0xb8;
	[tilespmem:$0x19280] =	vst v63  }
0x6a: {  	_ =	swait.ge [sflag:s28], $0x2000  }
.Ltmp1:
0x6b: {  	[sflag:s28] =	ssyncset.done $0x0;
	(pc) =	sbr.rel @p1 .LBB2_4-.Ltmp1, $4  }
0x6c: {  	[sflag:s28] =	ssyncadd.s32 $0xFFFFE000  }
0x6d: {  	[spmem:s4] =	stream.indirect.scatter.add.f32 @!p0 [tilespmem:s1], [sflag:$0x2], $0x10, s5, s31, $0xb8;
	[tilespmem:$0x19280] =	vst v63  }
0x6e: {  	_ =	swait.ge @!p0 [sflag:s30], $0x800  }
0x6f: {  	[sflag:s30] =	ssyncset.done @!p0 $0x0  }
0x70: {  	s1 =	sshra.s32 s2, $0x2;
	[sflag:s30] =	ssyncadd.s32 @!p0 $0xFFFFF800  }
0x71: {  	[tilespmem:s23], [sflag:$0x1] =	stream.indirect.gather [hbm4b:s0+s25], $0x40, s1, s25, $0xb8;
	[tilespmem:$0x19280] =	vst v63  }
0x72: {  	_ =	swait.ge [sflag:s26], $0x2000  }
0x73: {  	[sflag:s26] =	ssyncset.done $0x0  }
0x74: {  	s1 =	sadd.s32 $0x4E80, s1;
	[sflag:s26] =	ssyncadd.s32 $0xFFFFE000  }
0x75: {  	[spmem:s3] =	stream.indirect.scatter.add.f32 [tilespmem:s23], [sflag:$0x3], $0x40, s1, s25, $0xb8;
	[tilespmem:$0x19280] =	vst v63  }
0x76: {  	_ =	swait.ge [sflag:s28], $0x2000  }
0x77: {  	s2 =	simm.s32 @!p0 $0x2;
	[sflag:s28] =	ssyncset.done $0x0  }
0x78: {  	s5 =	simm.s32 @!p0 $0x80;
	s22 =	simm.s32 @!p0 $0xC500;
	[sflag:s28] =	ssyncadd.s32 $0xFFFFE000  }
0x79: {  	[spmem:s4] =	stream.indirect.scatter.add.f32 @!p0 [tilespmem:s22], [sflag:$0x2], $0x10, s1, s5, $0xb8;
	[tilespmem:$0x19280] =	vst v63  }
0x7a: {  	_ =	swait.ge @!p0 [sflag:s2], $0x800  }
0x7b: {  	s30 =	stileid.u32;
	[sflag:s2] =	ssyncset.done @!p0 $0x0  }
0x7c: {  	s1 =	sshll.u32 s30, $0x6;
	[sflag:s2] =	ssyncadd.s32 @!p0 $0xFFFFF800  }
0x7d: {  	s31 =	sshrl.u32 s8, $0x3;
	s1 =	sor.u32 $0x1C02, s1;
	[bflag:$0x0] =	sbarrier.arrive $0xFFFF  }
0x7e: {  	[hbm:s18], [sflag:s1] =	dma.local [spmem:s31], $0x13C0  }
0x7f: {  	s29 =	sadd.s32 $0x1, s29;
	_ =	swait.ge [sflag:s21], $0x13C0  }
0x80: {  	p1 =	sne.s32 s29, s20;
	[sflag:s21] =	ssyncset.done $0x0  }
.Ltmp2:
0x81: {  	s5 =	sshrl.u32 @!p0 s9, $0x3;
	[sflag:s21] =	ssyncadd.s32 $0xFFFFEC40;
	(pc) =	sbr.rel @p1 .LBB2_1-.Ltmp2, $4  }
0x82: {  	[hbm:s19], [sflag:s1] =	dma.local @!p0 [spmem:s5], $0x4F0  }
0x83: {  	_ =	swait.ge @!p0 [sflag:s2], $0x4F0  }
0x84: {  	[sflag:s2] =	ssyncset.done @!p0 $0x0  }
0x85: {  	[sflag:s2] =	ssyncadd.s32 @!p0 $0xFFFFFB10  }
0x86: {  	_ =	sfence.sel $0x180000  }
0x87: {  	[bflag:$0x0] =	sbarrier.arrive $0xFFFF  }
0x88: {  	_ =	strace $0x90000047  }
0x89: {  	s0 =	stileid.u32;
	[bflag:$0x2] =	sbarrier.arrive $0xFFFF  }
0x8a: {  	p0 =	sne.s32 s0, $0x0;
	s0 =	rddreg [dreg:$0x4]  }
0x8b: {  	s0 =	sadd.s32 @!p0 $0x100000, s0  }
0x8c: {  	[sflag:s0] =	ssyncadd.tile.s32 @!p0 $0x1;
	_ =	shalt  }
.Lfunc_end2:
_tile_overlayer_lowered:
.L_overlay_start_2:
0x8d: {  	(tag) =	ssettag $0x2  }
0x8e: {  	s0 =	rddreg [dreg:$0x0];
	s2 =	stileid.u32  }
0x8f: {  	s1 =	rddreg [dreg:$0x1];
	p0 =	sne.s32 s2, $0x0  }
0x90: {  	s3 =	rddreg [dreg:$0x2];
	[bflag:$0x3] =	sbarrier.arrive $0xFFFF;
	s2 =	simm.s32 @!p0 $0x1C02  }
0x91: {  	[timem:s3], [sflag:s2] =	dma.local @!p0 [hbm:s0], s1  }
0x92: {  	s0 =	simm.s32 @!p0 $0x2  }
0x93: {  	_ =	swait.ge @!p0 [sflag:s0], s1  }
0x94: {  	s1 =	ssub.s32 @!p0 $0x0, s1;
	[sflag:s0] =	ssyncset.done @!p0 $0x0  }
0x95: {  	[sflag:s0] =	ssyncadd.s32 @!p0 s1  }
0x96: {  	[bflag:$0x3] =	sbarrier.arrive $0xFFFF  }
0x97: {  	_ =	shalt  }

// kernel: kernel.9.cloned.1.call-start
scs
__scs_entry_jumppad:
0x0: {  	(pc) =	sbr.rel $0x88, $3  }
0x1: {  	(tag) =	ssettag $0x0;
	lr =	simm.s32 $0x1  }
0x2: {  	[smem:$0x3F95] =	sst lr;
	_ =	strace $0xD0000000  }
0x3: {  	_ = 	snop  }
0x4: {  	_ = 	snop  }
0x5: {  	_ = 	snop  }
0x6: {  	_ = 	snop  }
0x7: {  	_ = 	snop  }
__scs_overlays_trampoline_lowered:
0x8: {  	[smem:$0x3FA4] =	sst s0  }
0x9: {  	[smem:$0x3FA5] =	sst s1  }
0xa: {  	[smem:$0x3FA6] =	sst s2  }
0xb: {  	[smem:$0x3FA7] =	sst s3  }
0xc: {  	[smem:$0x3FA8] =	sst s4  }
0xd: {  	[smem:$0x3FA9] =	sst s5  }
0xe: {  	[smem:$0x3FAA] =	sst s6  }
0xf: {  	[smem:$0x3FAB] =	sst s7  }
0x10: {  	[smem:$0x3FAC] =	sst s8  }
0x11: {  	[smem:$0x3FAD] =	sst s9;
	s0 =	simm.s32 @!p0 $0x0  }
0x12: {  	s1 =	sld [smem:$0x3F93];
	s0 =	simm.s32 @p0 $0x1  }
0x13: {  	[smem:$0x3FAE] =	sst s0;
	s0 =	simm.s32 @!p1 $0x0  }
0x14: {  	s2 =	sld [smem:$0x3F92];
	s0 =	simm.s32 @p1 $0x1  }
0x15: {  	[smem:$0x3FAF] =	sst s0;
	s0 =	simm.s32 @!p2 $0x0  }
0x16: {  	s3 =	sld [smem:$0x3FDB];
	s0 =	simm.s32 @p2 $0x1  }
0x17: {  	s4 =	simm.s32 $0x1BF5;
	[smem:$0x3FB1] =	sst s0  }
0x18: {  	s0 =	sld [smem:$0x3F94];
	_ =	swait.ge [sflag:s4], $0x0  }
0x19: {  	s7 =	sld [smem:$0x3F95]  }
0x1a: {  	s8 =	sadd.s32 $0xFFFFE003, lr  }
0x1b: {  	s9 =	sadd.s32 $0xFFFFFEF7, lr;
	s5 =	simm.s32 $0xFFFFFFFF;
	p2 =	slt.u32 s8, $0xFFFFF086  }
0x1c: {  	p1 =	slt.u32 s9, $0xF7A;
	s5 =	simm.s32 @!p2 $0x0  }
0x1d: {  	s5 =	simm.s32 @p1 $0x1;
	p0 =	seq.s32 s7, s2  }
0x1e: {  	s7 =	smul.u32 @!p0 $0xF7A, s2;
	p2 =	seq.s32 @!p0 s5, $0x0  }
0x1f: {  	s9 =	smul.u32 $0xF7A, s1;
	s8 =	simm.s32 @!p0 $0x1BF5;
	p2 =	por !p2, p0  }
0x20: {  	[sflag:s8] =	ssyncset.s32 @!p0 $0xFFFFF086;
	s6 =	sadd.s32 @!p0 s3, s7;
	s7 =	simm.s32 @!p0 $0x108  }
0x21: {  	s3 =	sadd.s32 s3, s9;
	s6 =	sadd.s32 @!p0 $0x88, s6;
	s7 =	simm.s32 @p2 $0x1082  }
0x22: {  	[simem:s7], [sflag:s8] =	dma.local @!p0 [hbm:s6], $0xF7A  }
0x23: {  	s9 =	sor.u32 $0xD0000000, s2;
	s6 =	simm.s32 $0x108;
	_ =	swait.ge @!p0 [sflag:s8], $0x0  }
0x24: {  	s3 =	sadd.s32 $0x88, s3;
	s6 =	simm.s32 @!p1 $0x1082;
	[sflag:s4] =	ssyncset.s32 $0xFFFFF086  }
0x25: {  	[simem:s6], [sflag:s4] =	dma.local [hbm:s3], $0xF7A  }
0x26: {  	[smem:$0x3F95] =	sst s1;
	(tag) =	ssettag s2;
	_ =	strace s9  }
0x27: {  	s1 =	sld [smem:$0x3FA5]  }
0x28: {  	s2 =	sld [smem:$0x3FA6]  }
0x29: {  	s4 =	sld [smem:$0x3FA8]  }
0x2a: {  	p0 =	seq.s32 s5, $0x0;
	s5 =	sld [smem:$0x3FA9]  }
0x2b: {  	s6 =	sld [smem:$0x3FAA]  }
0x2c: {  	s7 =	sld [smem:$0x3FAB]  }
0x2d: {  	s3 =	simm.s32 $0x108;
	s8 =	sld [smem:$0x3FAC]  }
0x2e: {  	s3 =	simm.s32 @!p0 $0x1082;
	s9 =	sld [smem:$0x3FAD]  }
0x2f: {  	lr =	sadd.s32 s0, s3;
	s0 =	sld [smem:$0x3FA4]  }
0x30: {  	s3 =	sld [smem:$0x3FA7]  }
0x31: {  	[smem:$0x3FB0] =	sst s10  }
0x32: {  	s10 =	sld [smem:$0x3FAE];
	_ =	sdelay $0x3  }
0x33: {  	p0 =	seq.s32 s10, $0x1;
	s10 =	sld [smem:$0x3FB0];
	_ =	sdelay $0x3  }
0x34: {  	[smem:$0x3FB0] =	sst s10  }
0x35: {  	s10 =	sld [smem:$0x3FAF];
	_ =	sdelay $0x3  }
0x36: {  	p1 =	seq.s32 s10, $0x1;
	s10 =	sld [smem:$0x3FB0];
	_ =	sdelay $0x3  }
0x37: {  	[smem:$0x3FB0] =	sst s10  }
0x38: {  	s10 =	sld [smem:$0x3FB1]  }
0x39: {  	_ = 	snop;
	(pc) =	sbr.ind lr, $3  }
0x3a: {  	_ = 	snop  }
0x3b: {  	_ = 	snop  }
0x3c: {  	p2 =	seq.s32 s10, $0x1;
	s10 =	sld [smem:$0x3FB0]  }
0x3d: {  	_ =	shalt  }
0x3e: {  	_ =	shalt  }
0x3f: {  	_ =	shalt  }
0x40: {  	_ =	shalt  }
0x41: {  	_ =	shalt  }
0x42: {  	_ =	shalt  }
0x43: {  	_ =	shalt  }
0x44: {  	_ =	shalt  }
0x45: {  	_ =	shalt  }
0x46: {  	_ =	shalt  }
0x47: {  	_ =	shalt  }
0x48: {  	_ =	shalt  }
0x49: {  	_ =	shalt  }
0x4a: {  	_ =	shalt  }
0x4b: {  	_ =	shalt  }
0x4c: {  	_ =	shalt  }
0x4d: {  	_ =	shalt  }
0x4e: {  	_ =	shalt  }
0x4f: {  	_ =	shalt  }
0x50: {  	_ =	shalt  }
0x51: {  	_ =	shalt  }
0x52: {  	_ =	shalt  }
0x53: {  	_ =	shalt  }
0x54: {  	_ =	shalt  }
0x55: {  	_ =	shalt  }
0x56: {  	_ =	shalt  }
0x57: {  	_ =	shalt  }
0x58: {  	_ =	shalt  }
0x59: {  	_ =	shalt  }
0x5a: {  	_ =	shalt  }
0x5b: {  	_ =	shalt  }
0x5c: {  	_ =	shalt  }
0x5d: {  	_ =	shalt  }
0x5e: {  	_ =	shalt  }
0x5f: {  	_ =	shalt  }
0x60: {  	_ =	shalt  }
0x61: {  	_ =	shalt  }
0x62: {  	_ =	shalt  }
0x63: {  	_ =	shalt  }
0x64: {  	_ =	shalt  }
0x65: {  	_ =	shalt  }
0x66: {  	_ =	shalt  }
0x67: {  	_ =	shalt  }
0x68: {  	_ =	shalt  }
0x69: {  	_ =	shalt  }
0x6a: {  	_ =	shalt  }
0x6b: {  	_ =	shalt  }
0x6c: {  	_ =	shalt  }
0x6d: {  	_ =	shalt  }
0x6e: {  	_ =	shalt  }
0x6f: {  	_ =	shalt  }
0x70: {  	_ =	shalt  }
0x71: {  	_ =	shalt  }
0x72: {  	_ =	shalt  }
0x73: {  	_ =	shalt  }
0x74: {  	_ =	shalt  }
0x75: {  	_ =	shalt  }
0x76: {  	_ =	shalt  }
0x77: {  	_ =	shalt  }
0x78: {  	_ =	shalt  }
0x79: {  	_ =	shalt  }
0x7a: {  	_ =	shalt  }
0x7b: {  	_ =	shalt  }
0x7c: {  	_ =	shalt  }
0x7d: {  	_ =	shalt  }
0x7e: {  	_ =	shalt  }
0x7f: {  	_ =	shalt  }
0x80: {  	_ =	shalt  }
0x81: {  	_ =	shalt  }
0x82: {  	_ =	shalt  }
0x83: {  	_ =	shalt  }
0x84: {  	_ =	shalt  }
0x85: {  	_ =	shalt  }
0x86: {  	_ =	shalt  }
0x87: {  	_ =	shalt  }
.Lfunc_end0:
.L_simem_size_0:
called_computation.1_lowered:
.L_overlay_start_0:
0x88: {  	s2 =	sld [smem:$0x3FD9]  }
0x89: {  	s3 =	sld [smem:$0x3FFE];
	_ =	sdelay $0x1  }
0x8a: {  	s1 =	srdreg.scid  }
0x8b: {  	s0 =	sand.u32 $0x1, s1  }
0x8c: {  	s17 =	sshll.u32 s0, $0xA;
	s2 =	sadd.s32 s3, s2  }
0x8d: {  	s2 =	sadd.s32 s2, s17  }
0x8e: {  	[smem:$0x3FBC] =	sst s2  }
0x8f: {  	_ = 	snop  }
0x90: {  	s2 =	sld [smem:$0x3FD0];
	(tm) =	ssettm $0x1  }
0x91: {  	s18 =	sld [smem:$0x3FFB];
	_ =	sdelay $0x3  }
0x92: {  	_ =	strace s18  }
0x93: {  	s3 =	sld [smem:$0x3FFC];
	_ =	sdelay $0x3  }
0x94: {  	_ =	strace s3  }
0x95: {  	s3 =	sld [smem:$0x3FFD];
	_ =	sdelay $0x3  }
0x96: {  	_ =	strace s3  }
0x97: {  	_ =	strace $0x8FFFFFFF  }
0x98: {  	s19 =	sld [smem:$0x3FDB];
	_ =	sdelay $0x1  }
0x99: {  	s4 =	simm.s32 $_scs_section_size  }
0x9a: {  	s5 =	simm.s32 $_size__tile_overlayer_lowered;
	s6 =	simm.s32 $_tile_overlayer_lowered  }
0x9b: {  	s22 =	simm.s32 $0x1BFF;
	s21 =	sshll.u32 s6, $0x1;
	s3 =	sadd.s32 s4, s19  }
0x9c: {  	s7 =	simm.s32 $0x0;
	s20 =	sshll.u32 s5, $0x1;
	s5 =	sadd.s32 s21, s3  }
0x9d: {  	[timem:s7], [sflag:s22] =	dma.local [hbm:s5], s20  }
0x9e: {  	_ =	swait.ge [sflag:s22], s20  }
0x9f: {  	s4 =	ssub.s32 $0x0, s20;
	[sflag:s22] =	ssyncset.done $0x0  }
0xa0: {  	[sflag:s22] =	ssyncadd.s32 s4;
	_ =	sdelay $0x1  }
0xa1: {  	s23 =	simm.s32 $0x1B8B  }
0xa2: {  	_ =	swait.ge [sflag:s23], $0x1  }
0xa3: {  	[sflag:s23] =	ssyncset.done $0x0  }
0xa4: {  	s25 =	simm.s32 $0x1B8E;
	s24 =	sld [smem:$0x3FFE];
	[sflag:s23] =	ssyncadd.s32 $0xFFFFFFFF  }
0xa5: {  	s26 =	simm.s32 $execute0_lowered;
	[smem:$0x3FD2] =	sst s25  }
0xa6: {  	s5 =	sshll.u32 s26, $0x1;
	_ =	strace $0x80000049;
	[dreg:$0x1] =	wrdreg $0xFFFFFFFF  }
0xa7: {  	s28 =	simm.s32 $_size_execute0_lowered;
	s3 =	sadd.s32 s3, s5;
	[dreg:$0x0] =	wrdreg $0x0  }
0xa8: {  	s5 =	sshll.u32 s28, $0x1;
	[dreg:$0x2] =	wrdreg s3  }
0xa9: {  	[dreg:$0x3] =	wrdreg s5  }
0xaa: {  	[dreg:$0x4] =	wrdreg $0xC0  }
0xab: {  	_ =	task [dreg:s7], $0x5FFFF  }
0xac: {  	[dreg:$0x1] =	wrdreg $0xFFFFFFFF  }
0xad: {  	[dreg:$0x0] =	wrdreg $0x60  }
0xae: {  	[dreg:$0x2] =	wrdreg s2  }
0xaf: {  	[dreg:$0x3] =	wrdreg s24  }
0xb0: {  	[dreg:$0x4] =	wrdreg $0xCD000  }
0xb1: {  	[dreg:$0x5] =	wrdreg $0x9  }
0xb2: {  	_ =	task.clear_ibuf [dreg:s7], $0x6FFFF;
	_ =	strace $0x90000049  }
0xb3: {  	s29 =	simm.s32 $0x9;
	_ =	strace $0x8000004B  }
0xb4: {  	_ =	swait.ge [sflag:s29], $0x1  }
0xb5: {  	[sflag:s29] =	ssyncadd.s32 $0xFFFFFFFF  }
0xb6: {  	_ =	strace $0x9000004B  }
0xb7: {  	_ =	sfence  }
0xb8: {  	s30 =	sld [smem:$0x0];
	_ =	sdelay $0x2  }
0xb9: {  	s31 =	sshll.u32 s1, $0xD;
	s1 =	sshrl.u32 s1, $0x2  }
0xba: {  	s3 =	sand.u32 $0x4000, s31;
	s1 =	sadd.s32 s1, s30  }
0xbb: {  	s0 =	sor.u32 s3, s0;
	s1 =	sshll.u32 s1, $0x11  }
0xbc: {  	s0 =	sor.u32 s1, s0  }
0xbd: {  	s0 =	sadd.s32 $0x8F2B, s0  }
0xbe: {  	[sflag:s0] =	ssyncadd.remote.s32 $0x1  }
0xbf: {  	_ =	sfence.sel $0xFFFF  }
0xc0: {  	[dreg:$0x0] =	wrdreg $0xFFFFFFFF;
	(pc) =	sbr.abs _section_cstart, $3  }
0xc1: {  	[dreg:$0x1] =	wrdreg $0xFFFFFFFF  }
0xc2: {  	_ =	task.clear_ibuf [dreg:s7], $0x2FFFF;
	_ =	strace $0x9FFFFFFF  }
0xc3: {  	(tm) =	ssettm $0x7FFFFFFF  }
tec
execute0_lowered:
.L_overlay_start_1:
0x0: {  	(tag) =	ssettag $0x1  }
0x1: {  	s1 =	rddreg [dreg:$0x0]  }
0x2: {  	s6 =	rddreg [dreg:$0x1]  }
0x3: {  	s0 =	srdreg.scid;
	s3 =	rddreg [dreg:$0x2]  }
0x4: {  	s4 =	simm.s32 $0x0;
	s14 =	simm.s32 $0x2;
	s15 =	simm.s32 $0x4E80  }
0x5: {  	s16 =	simm.s32 $0x9D00;
	s5 =	sand.u32 $0x1, s0;
	s0 =	stileid.u32  }
0x6: {  	s17 =	simm.s32 $0x80;
	s18 =	simm.s32 $0x1;
	s8 =	smul.u32 $0x9D0, s0  }
0x7: {  	s21 =	simm.s32 $0x0;
	[smem:$0x7FF] =	sst s4;
	s9 =	smul.u32 $0x13C0, s0  }
0x8: {  	s2 =	sshll.u32 s5, $0x4;
	s10 =	smul.u32 $0x13C00, s5;
	s5 =	ssub.s32 $0x2, s5  }
0x9: {  	s11 =	smul.u32 $0x27800, s0;
	s19 =	sshll.u32 s0, $0x6;
	s2 =	sor.u32 s0, s2  }
0xa: {  	s30 =	sshrl.u32 s5, $0x1;
	s19 =	sor.u32 $0x1C02, s19;
	s7 =	smul.u32 $0x9D0, s2  }
0xb: {  	s2 =	rddreg [dreg:$0x3];
	_ =	strace $0x8000004A;
	s8 =	sadd.s32 s8, s6  }
0xc: {  	s9 =	sadd.s32 s9, s10;
	s13 =	ssub.s32 s5, s30;
	s31 =	sshrl.u32 s11, $0x2  }
0xd: {  	s12 =	sadd.s32 s9, s6;
	s13 =	smax.u32 s13, $0x1;
	s7 =	sadd.s32 s7, s6  }
0xe: {  	s6 =	sadd.s32 $0x16400, s8;
	s5 =	sadd.s32 $0x2A00, s7;
	s7 =	sadd.s32 s31, s3  }
0xf: {  	v0 =	vimm.f32 $0.0e+00;
	vm0 =	vcmask $0x300;
	s12 =	sadd.s32 $0x6E400, s12;
	s8 =	sadd.s32 $0x2000, s7;
	s9 =	sadd.s32 $0x4000, s7  }
0x10: {  	v1 =	vsel vm0, $0x3F800000, v0;
	s10 =	sadd.s32 $0x6000, s7;
	s11 =	sadd.s32 $0x8000, s7;
	s20 =	sshrl.u32 s7, $0x3  }
.LBB2_1:
0x11: {  	[tilespmem:s4], [sflag:$0x2] =	stream.linear.gather [hbm4b:s5+s4], $0x4E80, $0x38;
	[tilespmem:$0x16B00] =	vst v63  }
0x12: {  	_ =	swait.ge [sflag:s14], $0x4E80  }
0x13: {  	[sflag:s14] =	ssyncset.done $0x0  }
0x14: {  	[sflag:s14] =	ssyncadd.s32 $0xFFFFB180  }
0x15: {  	[tilespmem:s15], [sflag:$0x2] =	stream.linear.gather [hbm4b:s6+s4], $0x4E80, $0x38;
	[tilespmem:$0x16B00] =	vst v63  }
0x16: {  	_ =	swait.ge [sflag:s14], $0x4E80  }
0x17: {  	[sflag:s14] =	ssyncset.done $0x0  }
0x18: {  	s22 =	simm.s32 $0x9D20;
	[sflag:s14] =	ssyncadd.s32 $0xFFFFB180  }
0x19: {  	[tilespmem:s22+$0xFFFFFFE0] =	vst v0  }
0x1a: {  	[tilespmem:s22+$0x10] =	vst v0  }
0x1b: {  	[tilespmem:s22+$0x0] =	vst v0  }
0x1c: {  	s23 =	simm.s32 $0x40;
	s24 =	simm.s32 $0x0;
	[tilespmem:s22+$0xFFFFFFF0] =	vst v0  }
.LBB2_2:
0x1d: {  	p0 =	sne.s32 s23, $0x1FC0  }
0x1e: {  	[tilespmem:s24+$0xBD00] =	vst v0;
	s22 =	sadd.s32 $0x40, s22;
	s25 =	smov.u32 s23;
	s23 =	sadd.s32 $0x40, s23  }
.Ltmp0:
0x1f: {  	[tilespmem:s24+$0xC500] =	vst v1;
	(pc) =	sbr.rel @p0 .LBB2_2-.Ltmp0, $4  }
0x20: {  	[tilespmem:s22+$0xFFFFFFE0] =	vst v0  }
0x21: {  	[tilespmem:s22+$0x10] =	vst v0  }
0x22: {  	[tilespmem:s22+$0x0] =	vst v0  }
0x23: {  	s24 =	sshra.s32 s25, $0x2;
	[tilespmem:s22+$0xFFFFFFF0] =	vst v0  }
0x24: {  	[tilespmem:s24+$0xBD00] =	vst v0  }
0x25: {  	[tilespmem:s24+$0xC500] =	vst v1  }
0x26: {  	[spmem:s7] =	stream.linear.scatter [tilespmem:s16], [sflag:$0x2], $0x2000, $0x38;
	[tilespmem:$0x16B00] =	vst v63  }
0x27: {  	_ =	swait.ge [sflag:s14], $0x2000  }
0x28: {  	[sflag:s14] =	ssyncset.done $0x0  }
0x29: {  	[sflag:s14] =	ssyncadd.s32 $0xFFFFE000  }
0x2a: {  	[spmem:s8] =	stream.linear.scatter [tilespmem:s16], [sflag:$0x2], $0x2000, $0x38;
	[tilespmem:$0x16B00] =	vst v63  }
0x2b: {  	_ =	swait.ge [sflag:s14], $0x2000  }
0x2c: {  	[sflag:s14] =	ssyncset.done $0x0  }
0x2d: {  	[sflag:s14] =	ssyncadd.s32 $0xFFFFE000  }
0x2e: {  	[spmem:s9] =	stream.linear.scatter [tilespmem:s16], [sflag:$0x2], $0x2000, $0x38;
	[tilespmem:$0x16B00] =	vst v63  }
0x2f: {  	_ =	swait.ge [sflag:s14], $0x2000  }
0x30: {  	[sflag:s14] =	ssyncset.done $0x0  }
0x31: {  	[sflag:s14] =	ssyncadd.s32 $0xFFFFE000  }
0x32: {  	[spmem:s10] =	stream.linear.scatter [tilespmem:s16], [sflag:$0x2], $0x2000, $0x38;
	[tilespmem:$0x16B00] =	vst v63  }
0x33: {  	_ =	swait.ge [sflag:s14], $0x2000  }
0x34: {  	[sflag:s14] =	ssyncset.done $0x0  }
0x35: {  	[sflag:s14] =	ssyncadd.s32 $0xFFFFE000  }
0x36: {  	[spmem:s11] =	stream.linear.scatter [tilespmem:s16], [sflag:$0x2], $0x1E00, $0x38;
	[tilespmem:$0x16B00] =	vst v63  }
0x37: {  	_ =	swait.ge [sflag:s14], $0x1E00  }
0x38: {  	[sflag:s14] =	ssyncset.done $0x0  }
0x39: {  	[sflag:s14] =	ssyncadd.s32 $0xFFFFE200  }
0x3a: {  	s22 =	simm.s32 $0x0;
	[bflag:$0x0] =	sbarrier.arrive $0xFFFF  }
0x3b: {  	[tilespmem:s16], [sflag:$0x1] =	stream.indirect.gather [hbm4b:s1+s17], $0x40, s22, s17, $0xb8;
	[tilespmem:$0x16B00] =	vst v63  }
0x3c: {  	_ =	swait.ge [sflag:s18], $0x2000  }
0x3d: {  	[sflag:s18] =	ssyncset.done $0x0  }
0x3e: {  	s31 =	simm.s32 $0x4E80;
	[sflag:s18] =	ssyncadd.s32 $0xFFFFE000  }
0x3f: {  	[spmem:s3] =	stream.indirect.scatter.add.f32 [tilespmem:s16], [sflag:$0x2], $0x40, s31, s17, $0xb8;
	[tilespmem:$0x16B00] =	vst v63  }
0x40: {  	_ =	swait.ge [sflag:s14], $0x2000  }
0x41: {  	s23 =	simm.s32 $0x400;
	s22 =	simm.s32 $0x200;
	[sflag:s14] =	ssyncset.done $0x0  }
.LBB2_4:
0x42: {  	s24 =	sshra.s32 s22, $0x2  }
0x43: {  	[sflag:s14] =	ssyncadd.s32 $0xFFFFE000;
	s22 =	smov.u32 s23;
	s25 =	sadd.s32 $0x200, s23  }
0x44: {  	[tilespmem:s16], [sflag:$0x1] =	stream.indirect.gather [hbm4b:s1+s17], $0x40, s24, s17, $0xb8;
	[tilespmem:$0x16B00] =	vst v63  }
0x45: {  	p0 =	sne.s32 s23, $0x13800;
	_ =	swait.ge [sflag:s18], $0x2000  }
.Ltmp1:
0x46: {  	[sflag:s18] =	ssyncset.done $0x0;
	(pc) =	sbr.rel @p0 .LBB2_4-.Ltmp1, $4  }
0x47: {  	s23 =	sadd.s32 $0x4E80, s24;
	[sflag:s18] =	ssyncadd.s32 $0xFFFFE000  }
0x48: {  	[spmem:s3] =	stream.indirect.scatter.add.f32 [tilespmem:s16], [sflag:$0x2], $0x40, s23, s17, $0xb8;
	[tilespmem:$0x16B00] =	vst v63  }
0x49: {  	_ =	swait.ge [sflag:s14], $0x2000  }
0x4a: {  	s23 =	smov.u32 s25;
	[sflag:s14] =	ssyncset.done $0x0  }
0x4b: {  	s22 =	sshra.s32 s22, $0x2;
	[sflag:s14] =	ssyncadd.s32 $0xFFFFE000  }
0x4c: {  	[tilespmem:s16], [sflag:$0x1] =	stream.indirect.gather [hbm4b:s1+s17], $0x40, s22, s17, $0xb8;
	[tilespmem:$0x16B00] =	vst v63  }
0x4d: {  	_ =	swait.ge [sflag:s18], $0x2000  }
0x4e: {  	[sflag:s18] =	ssyncset.done $0x0  }
0x4f: {  	s22 =	sadd.s32 $0x4E80, s22;
	[sflag:s18] =	ssyncadd.s32 $0xFFFFE000  }
0x50: {  	[spmem:s3] =	stream.indirect.scatter.add.f32 [tilespmem:s16], [sflag:$0x2], $0x40, s22, s17, $0xb8;
	[tilespmem:$0x16B00] =	vst v63  }
0x51: {  	_ =	swait.ge [sflag:s14], $0x2000  }
0x52: {  	s21 =	sadd.s32 $0x1, s21;
	[sflag:s14] =	ssyncset.done $0x0  }
0x53: {  	p0 =	sne.s32 s21, s13;
	[sflag:s14] =	ssyncadd.s32 $0xFFFFE000  }
.Ltmp2:
0x54: {  	[bflag:$0x0] =	sbarrier.arrive $0xFFFF;
	(pc) =	sbr.rel @p0 .LBB2_1-.Ltmp2, $4  }
0x55: {  	[hbm:s12], [sflag:s19] =	dma.local [spmem:s20], $0x13C0  }
0x56: {  	_ =	swait.ge [sflag:s14], $0x13C0  }
0x57: {  	[sflag:s14] =	ssyncset.done $0x0  }
0x58: {  	[sflag:s14] =	ssyncadd.s32 $0xFFFFEC40  }
0x59: {  	_ =	sfence.sel $0x180000  }
0x5a: {  	[bflag:$0x0] =	sbarrier.arrive $0xFFFF  }
0x5b: {  	p0 =	sne.s32 s0, $0x0;
	_ =	strace $0x9000004A  }
0x5c: {  	s0 =	sadd.s32 @!p0 $0x100000, s2;
	[bflag:$0x2] =	sbarrier.arrive $0xFFFF  }
0x5d: {  	[sflag:s0] =	ssyncadd.tile.s32 @!p0 $0x1;
	_ =	shalt  }
.Lfunc_end2:
_tile_overlayer_lowered:
.L_overlay_start_2:
0x5e: {  	(tag) =	ssettag $0x2  }
0x5f: {  	s0 =	rddreg [dreg:$0x0];
	s2 =	stileid.u32  }
0x60: {  	s1 =	rddreg [dreg:$0x1];
	p0 =	sne.s32 s2, $0x0  }
0x61: {  	s3 =	rddreg [dreg:$0x2];
	[bflag:$0x3] =	sbarrier.arrive $0xFFFF;
	s2 =	simm.s32 @!p0 $0x1C02  }
0x62: {  	[timem:s3], [sflag:s2] =	dma.local @!p0 [hbm:s0], s1  }
0x63: {  	s0 =	simm.s32 @!p0 $0x2  }
0x64: {  	_ =	swait.ge @!p0 [sflag:s0], s1  }
0x65: {  	s1 =	ssub.s32 @!p0 $0x0, s1;
	[sflag:s0] =	ssyncset.done @!p0 $0x0  }
0x66: {  	[sflag:s0] =	ssyncadd.s32 @!p0 s1  }
0x67: {  	[bflag:$0x3] =	sbarrier.arrive $0xFFFF  }
0x68: {  	_ =	shalt  }

</sc_bundles>
